<compile_context>
chip_gen: v7x
topology: tpu7x:2x2x1
jax: 0.10.2.dev20260603
libtpu: 0.0.44.dev20260713+nightly
codegen_flags: <defaults>
</compile_context>

<pallas_src>
import functools
import math

import jax
import jax.numpy as jnp
from jax import lax
from jax.experimental import pallas as pl
from jax.experimental.pallas import tpu as pltpu
from jax.experimental.pallas import tpu_sc as plsc

TOK = 2048
DIM = 768
NE = 8
FFD = 1536
K = 2
CAP = TOK

RT = 256
GT = 256
NPAIR = K * TOK
TPE = CAP // GT
NSTEP = NE * TPE
NUM_TILES = NPAIR // GT + NE
PADDED = NUM_TILES * GT

_SQRT2 = math.sqrt(2.0)


def _router_body(x_ref, gw_ref, pos_ref, wts_ref, stats_ref, cnt_ref):
    i = pl.program_id(0)

    @pl.when(i == 0)
    def _():
        cnt_ref[...] = jnp.zeros_like(cnt_ref)
        stats_ref[...] = jnp.zeros_like(stats_ref)

    x = x_ref[...]
    logits = jnp.dot(x, gw_ref[...], preferred_element_type=jnp.float32)
    col = lax.broadcasted_iota(jnp.int32, logits.shape, 1)
    m1 = jnp.max(logits, axis=1)
    i1 = jnp.argmax(logits, axis=1)
    masked = jnp.where(col == i1[:, None], -jnp.inf, logits)
    m2 = jnp.max(masked, axis=1)
    i2 = jnp.argmax(masked, axis=1)
    z = jnp.exp(m2 - m1)
    wa = 1.0 / (1.0 + z)
    wb = z * wa

    oh1 = (col == i1[:, None]).astype(jnp.float32)
    oh2 = (col == i2[:, None]).astype(jnp.float32)
    r_ = lax.broadcasted_iota(jnp.int32, (RT, RT), 0)
    c_ = lax.broadcasted_iota(jnp.int32, (RT, RT), 1)
    tri = (r_ > c_).astype(jnp.float32)
    c1 = jnp.dot(tri, oh1, preferred_element_type=jnp.float32)
    c2 = jnp.dot(tri, oh2, preferred_element_type=jnp.float32)
    tot1 = jnp.sum(oh1, axis=0, keepdims=True)
    tot2 = jnp.sum(oh2, axis=0, keepdims=True)
    cnt = cnt_ref[...]
    rank1 = jnp.sum((cnt + c1) * oh1, axis=1)
    rank2 = jnp.sum((cnt + tot1 + c2) * oh2, axis=1)
    pos_ref[...] = jnp.stack([i1 * CAP + rank1.astype(jnp.int32),
                              i2 * CAP + rank2.astype(jnp.int32)], axis=0)
    wts_ref[...] = jnp.stack([wa, wb], axis=0)
    cnt_ref[...] = cnt + tot1 + tot2

    probs = jax.nn.softmax(logits, axis=1)
    psum = jnp.sum(probs, axis=0, keepdims=True)
    sq = jnp.sum(logits * logits)
    row = lax.broadcasted_iota(jnp.int32, (8, NE), 0)
    upd = jnp.where(row == 0, tot1,
                    jnp.where(row == 1, psum,
                              jnp.where(row == 2, sq, tot1 + tot2)))
    upd = jnp.where(row >= 4, 0.0, upd)
    stats_ref[...] += upd


def _meta_body(stats_ref, pos_ref, cpos_ref, toff_ref, tv_ref, aux_ref):
    stats = stats_ref[...]
    row8 = lax.broadcasted_iota(jnp.int32, (8, 1), 0)
    pc_row = jnp.sum(jnp.where(lax.broadcasted_iota(jnp.int32, (8, NE), 0) == 3,
                               stats, 0.0), axis=0, keepdims=True)
    outer = jnp.dot(jnp.ones((8, 1), jnp.float32), pc_row,
                    preferred_element_type=jnp.float32)
    eye = (row8 == lax.broadcasted_iota(jnp.int32, (8, 8), 1) - 0).astype(jnp.float32)
    eye = (lax.broadcasted_iota(jnp.int32, (8, 8), 0)
           == lax.broadcasted_iota(jnp.int32, (8, 8), 1)).astype(jnp.float32)
    pcT = jnp.sum(outer * eye, axis=1, keepdims=True)
    ntT = jnp.floor((pcT + (GT - 1)) / GT)
    ltri = (lax.broadcasted_iota(jnp.int32, (8, 8), 0)
            >= lax.broadcasted_iota(jnp.int32, (8, 8), 1)).astype(jnp.float32)
    endT = jnp.dot(ltri, ntT, preferred_element_type=jnp.float32)
    startT = endT - ntT
    used = jnp.sum(jnp.where(row8 == 7, endT, 0.0))

    m32 = lax.broadcasted_iota(jnp.int32, (1, NSTEP), 1)
    em = m32 // TPE
    jm = (m32 - em * TPE).astype(jnp.float32)
    ohe = (lax.broadcasted_iota(jnp.int32, (8, NSTEP), 0) == em).astype(jnp.float32)
    nt_m = jnp.sum(ohe * ntT, axis=0, keepdims=True)
    st_m = jnp.sum(ohe * startT, axis=0, keepdims=True)
    validm = jm < nt_m
    toffm = jnp.where(validm, st_m + jm, st_m + nt_m - 1.0)
    toffm = jnp.clip(toffm, 0.0, jnp.maximum(used - 1.0, 0.0))
    toff_ref[...] = toffm.astype(jnp.int32)
    tv_ref[...] = validm.astype(jnp.int32)

    pos = pos_ref[...]
    e_p = pos // CAP
    acc = jnp.zeros_like(pos)
    for j in range(NE):
        dsj = jnp.sum(jnp.where(row8 == j, jnp.float32(j * TPE) - startT, 0.0))
        acc = jnp.where(e_p == j, (dsj * GT).astype(jnp.int32), acc)
    cpos_ref[...] = pos - acc

    rowsel = lax.broadcasted_iota(jnp.int32, (8, NE), 0)
    cnt1 = jnp.sum(jnp.where(rowsel == 0, stats, 0.0), axis=0)
    psum = jnp.sum(jnp.where(rowsel == 1, stats, 0.0), axis=0)
    colsel = lax.broadcasted_iota(jnp.int32, (8, NE), 1)
    sq = jnp.sum(jnp.where((rowsel == 2) & (colsel == 0), stats, 0.0))
    aux = NE * jnp.sum(cnt1 * psum) / (TOK * TOK) + sq * 0.001 / (TOK * NE)
    aux_ref[...] = jnp.full((1, 1), 0.0) + aux


NW = 32
PAIR_PER_W = NPAIR // NW
TOK_PER_W = TOK // NW
_SC_MESH = plsc.VectorSubcoreMesh(core_axis_name="c", subcore_axis_name="s")


@functools.partial(
    pl.kernel, mesh=_SC_MESH,
    out_type=jax.ShapeDtypeStruct((PADDED, DIM), jnp.float32),
    scratch_types=[
        pltpu.VMEM((PAIR_PER_W,), jnp.int32),
        pltpu.VMEM((PAIR_PER_W, DIM), jnp.float32),
        pltpu.SemaphoreType.DMA,
    ],
)
def _sc_scatter_x(xf_hbm, cpos_hbm, out_hbm, idx_v, rows_v, sem):
    wid = lax.axis_index("s") * 2 + lax.axis_index("c")
    pltpu.sync_copy(cpos_hbm.at[wid], idx_v)
    src = lax.rem(wid * PAIR_PER_W, TOK)
    pltpu.sync_copy(xf_hbm.at[pl.ds(src, PAIR_PER_W)], rows_v)
    pltpu.async_copy(rows_v, out_hbm.at[idx_v], sem).wait()


@functools.partial(
    pl.kernel, mesh=_SC_MESH,
    out_type=jax.ShapeDtypeStruct((K * TOK, DIM), jnp.float32),
    scratch_types=[
        pltpu.VMEM((TOK_PER_W,), jnp.int32),
        pltpu.VMEM((TOK_PER_W,), jnp.int32),
        pltpu.VMEM((TOK_PER_W, DIM), jnp.float32),
        pltpu.VMEM((TOK_PER_W, DIM), jnp.float32),
        pltpu.SemaphoreType.DMA,
        pltpu.SemaphoreType.DMA,
    ],
)
def _sc_gather2(res_hbm, cpos_hbm, out_hbm, i0_v, i1_v, b0_v, b1_v, s0, s1):
    wid = lax.axis_index("s") * 2 + lax.axis_index("c")
    base = wid * TOK_PER_W
    pltpu.sync_copy(cpos_hbm.at[0].at[pl.ds(base, TOK_PER_W)], i0_v)
    pltpu.sync_copy(cpos_hbm.at[1].at[pl.ds(base, TOK_PER_W)], i1_v)
    c0 = pltpu.async_copy(res_hbm.at[i0_v], b0_v, s0)
    c1 = pltpu.async_copy(res_hbm.at[i1_v], b1_v, s1)
    c0.wait()
    c1.wait()
    pltpu.sync_copy(b0_v, out_hbm.at[pl.ds(base, TOK_PER_W)])
    pltpu.sync_copy(b1_v, out_hbm.at[pl.ds(TOK + base, TOK_PER_W)])


def _ffn_body(toff_ref, tv_ref, x_ref, w1_ref, w2_ref, b1_ref, b2_ref, o_ref):
    e = pl.program_id(0)
    j = pl.program_id(1)

    @pl.when(tv_ref[e * TPE + j] != 0)
    def _():
        h = jnp.dot(x_ref[...], w1_ref[0], preferred_element_type=jnp.float32)
        h = h + b1_ref[0]
        h = 0.5 * h * (1.0 + lax.erf(h / _SQRT2))
        o = jnp.dot(h, w2_ref[0], preferred_element_type=jnp.float32)
        o_ref[...] = o + b2_ref[0]


def kernel(x, gate_w, expert_w1, expert_w2, expert_b1, expert_b2):
    xf = x.reshape(TOK, DIM)

    pos, wts, stats = pl.pallas_call(
        _router_body,
        grid=(TOK // RT,),
        in_specs=[
            pl.BlockSpec((RT, DIM), lambda i: (i, 0)),
            pl.BlockSpec((DIM, NE), lambda i: (0, 0)),
        ],
        out_specs=[
            pl.BlockSpec((K, RT), lambda i: (0, i)),
            pl.BlockSpec((K, RT), lambda i: (0, i)),
            pl.BlockSpec((8, NE), lambda i: (0, 0)),
        ],
        out_shape=[
            jax.ShapeDtypeStruct((K, TOK), jnp.int32),
            jax.ShapeDtypeStruct((K, TOK), jnp.float32),
            jax.ShapeDtypeStruct((8, NE), jnp.float32),
        ],
        scratch_shapes=[pltpu.VMEM((1, NE), jnp.float32)],
    )(xf, gate_w)

    cpos, toff, tvalid, aux = pl.pallas_call(
        _meta_body,
        grid=(1,),
        in_specs=[
            pl.BlockSpec((8, NE), lambda i: (0, 0)),
            pl.BlockSpec((K, TOK), lambda i: (0, 0)),
        ],
        out_specs=[
            pl.BlockSpec((K, TOK), lambda i: (0, 0)),
            pl.BlockSpec((1, NSTEP), lambda i: (0, 0)),
            pl.BlockSpec((1, NSTEP), lambda i: (0, 0)),
            pl.BlockSpec((1, 1), lambda i: (0, 0)),
        ],
        out_shape=[
            jax.ShapeDtypeStruct((K, TOK), jnp.int32),
            jax.ShapeDtypeStruct((1, NSTEP), jnp.int32),
            jax.ShapeDtypeStruct((1, NSTEP), jnp.int32),
            jax.ShapeDtypeStruct((1, 1), jnp.float32),
        ],
    )(stats, pos)
    total_aux = aux[0, 0]

    x_sorted = _sc_scatter_x(xf, cpos.reshape(NW, PAIR_PER_W))

    res = pl.pallas_call(
        _ffn_body,
        grid_spec=pltpu.PrefetchScalarGridSpec(
            num_scalar_prefetch=2,
            grid=(NE, TPE),
            in_specs=[
                pl.BlockSpec((GT, DIM), lambda e, j, toff, tv: (toff[e * TPE + j], 0)),
                pl.BlockSpec((1, DIM, FFD), lambda e, j, toff, tv: (e, 0, 0)),
                pl.BlockSpec((1, FFD, DIM), lambda e, j, toff, tv: (e, 0, 0)),
                pl.BlockSpec((1, 1, FFD), lambda e, j, toff, tv: (e, 0, 0)),
                pl.BlockSpec((1, 1, DIM), lambda e, j, toff, tv: (e, 0, 0)),
            ],
            out_specs=pl.BlockSpec((GT, DIM),
                                   lambda e, j, toff, tv: (toff[e * TPE + j], 0)),
        ),
        out_shape=jax.ShapeDtypeStruct((PADDED, DIM), jnp.float32),
    )(toff.reshape(NSTEP), tvalid.reshape(NSTEP), x_sorted, expert_w1, expert_w2,
      expert_b1.reshape(NE, 1, FFD), expert_b2.reshape(NE, 1, DIM))

    sg = _sc_gather2(res, cpos)
    out = wts[0][:, None] * sg[:TOK] + wts[1][:, None] * sg[TOK:]
    return (out.reshape(x.shape), total_aux)

# --- scband reference (transcript-rebuilt; emitter-appended) ---
"""Pipeline reference for scband-mo-effn-77214922047954 (READ-ONLY COPY).

The authoritative reference and input builder live on the scoring server;
editing this copy changes nothing except your own understanding.
"""

import jax, jax.numpy as jnp
import numpy as np

B, T, DIM = 1, 2048, 768
E, TOPK, FF = 8, 2, 1536


def setup_inputs(seed: int = 0) -> dict:
    key = jax.random.key(seed)
    ks = jax.random.split(key, 6)
    x = jax.random.normal(ks[0], (B, T, DIM), dtype=jnp.float32)
    gate_w = jax.random.normal(ks[1], (DIM, E), dtype=jnp.float32) * (1.0 / DIM ** 0.5)
    base_w1 = jax.random.normal(ks[2], (DIM, FF), dtype=jnp.float32) * ((2.0 / (DIM + FF)) ** 0.5)
    base_w2 = jax.random.normal(ks[3], (FF, DIM), dtype=jnp.float32) * ((2.0 / (FF + DIM)) ** 0.5)
    expert_w1 = jnp.broadcast_to(base_w1[None], (E, DIM, FF)) + jax.random.normal(ks[4], (E, DIM, FF), dtype=jnp.float32) * 0.01
    expert_w2 = jnp.broadcast_to(base_w2[None], (E, FF, DIM)) + jax.random.normal(ks[5], (E, FF, DIM), dtype=jnp.float32) * 0.01
    expert_b1 = jnp.zeros((E, FF), dtype=jnp.float32)
    expert_b2 = jnp.zeros((E, DIM), dtype=jnp.float32)
    return {"x": x, "gate_w": gate_w, "expert_w1": expert_w1, "expert_w2": expert_w2, "expert_b1": expert_b1, "expert_b2": expert_b2}


def _select_expert(all_out, idx):
    # all_out: [B, T, E, F]; idx: [B, T] -> [B, T, F]
    b, t, e, f = all_out.shape
    idx_b = jnp.broadcast_to(idx[:, :, None, None], (b, t, 1, f))
    return jnp.take_along_axis(all_out, idx_b, axis=2)[:, :, 0, :]


def reference(x, gate_w, expert_w1, expert_w2, expert_b1, expert_b2):
    # Router
    logits = jnp.einsum('btd,de->bte', x, gate_w)
    top_k_logits, expert_indices = jax.lax.top_k(logits, TOPK)
    router_weights = jax.nn.softmax(top_k_logits, axis=-1)
    probs = jax.nn.softmax(logits, axis=-1)
    mask = jax.nn.one_hot(expert_indices[:, :, 0], E, dtype=jnp.float32)
    tokens_per_expert = mask.mean(axis=(0, 1))
    router_prob_per_expert = probs.mean(axis=(0, 1))
    aux_loss = E * jnp.sum(tokens_per_expert * router_prob_per_expert)
    z_loss = jnp.mean(logits ** 2) * 0.001
    total_aux = aux_loss + z_loss

    output = jnp.zeros_like(x)
    for k in range(TOPK):
        idx = expert_indices[:, :, k]            # [B, T]
        w = router_weights[:, :, k][..., None]   # [B, T, 1]
        # h[b,t,f] = sum_d x[b,t,d] * expert_w1[idx[b,t],d,f]  (exact gather semantics)
        all_h = jnp.einsum('btd,edf->btef', x, expert_w1)
        h = _select_expert(all_h, idx) + expert_b1[idx]
        h = jax.nn.gelu(h, approximate=False)
        # dropout p=0.0 (eval) -> identity
        all_o = jnp.einsum('btf,efd->bted', h, expert_w2)
        expert_out = _select_expert(all_o, idx) + expert_b2[idx]
        output = output + w * expert_out
    return (output, total_aux)

if __name__ == "__main__":
    import jax
    _d = setup_inputs()
    print(jax.jit(kernel)(*tuple(_d.values())))

</pallas_src>

<mosaic_0001>
#map = affine_map<(d0, d1) -> (0, 0)>
module attributes {stable_mosaic.version = 14 : i64} {
  func.func @_sc_gather2(%arg0: i32, %arg1: i32, %arg2: memref<6144x768xf32, #tpu.memory_space<hbm>>, %arg3: memref<2x2048xi32, #tpu.memory_space<hbm>>, %arg4: memref<4096x768xf32, #tpu.memory_space<hbm>>, %arg5: memref<64xi32, #tpu.memory_space<vmem>>, %arg6: memref<64xi32, #tpu.memory_space<vmem>>, %arg7: memref<64x768xf32, #tpu.memory_space<vmem>>, %arg8: memref<64x768xf32, #tpu.memory_space<vmem>>, %arg9: memref<!tpu.dma_semaphore, #tpu.memory_space<semaphore_mem>>, %arg10: memref<!tpu.dma_semaphore, #tpu.memory_space<semaphore_mem>>) attributes {dimension_semantics = [#tpu.dimension_semantics<core_parallel>, #tpu.dimension_semantics<subcore_parallel>], iteration_bounds = array<i64: 2, 16>, scalar_prefetch = 0 : i64, scratch_operands = 6 : i64, tpu.core_type = #tpu.core_type<sc_vector_subcore>, window_params = [{transform_indices = #map}, {transform_indices = #map}, {transform_indices = #map}]} {
    %mul3A = arith.constant 2 : i32
    %mul3A_0 = arith.muli %arg1, %mul3A : i32
    %add3A = arith.addi %mul3A_0, %arg0 : i32
    %mul3A_1 = arith.constant 64 : i32
    %mul3A_2 = arith.muli %add3A, %mul3A_1 : i32
    %run_scoped3A = arith.constant 0 : i32
    "tpu.region"() ({
      %run_scoped3A_16 = tpu.sem_alloc : memref<!tpu.dma_semaphore, #tpu.memory_space<semaphore_mem>>
      %dma_start3A_17 = arith.constant 0 : i32
      %dma_start3A_18 = tpu.memref_slice %arg3[%run_scoped3A, %dma_start3A_17] : memref<2x2048xi32, #tpu.memory_space<hbm>> -> memref<1x2048xi32, #tpu.memory_space<hbm>>
      %dma_start3A_19 = tpu.memref_squeeze %dma_start3A_18 : memref<1x2048xi32, #tpu.memory_space<hbm>> -> memref<2048xi32, #tpu.memory_space<hbm>>
      %dma_start3A_20 = tpu.memref_slice %dma_start3A_19[%mul3A_2] : memref<2048xi32, #tpu.memory_space<hbm>> -> memref<64xi32, #tpu.memory_space<hbm>>
      %dma_start3A_21 = arith.constant 0 : i32
      %dma_start3A_22 = tpu.memref_slice %arg3[%run_scoped3A, %dma_start3A_21] : memref<2x2048xi32, #tpu.memory_space<hbm>> -> memref<1x2048xi32, #tpu.memory_space<hbm>>
      %dma_start3A_23 = tpu.memref_squeeze %dma_start3A_22 : memref<1x2048xi32, #tpu.memory_space<hbm>> -> memref<2048xi32, #tpu.memory_space<hbm>>
      %dma_start3A_24 = tpu.memref_slice %dma_start3A_23[%mul3A_2] : memref<2048xi32, #tpu.memory_space<hbm>> -> memref<64xi32, #tpu.memory_space<hbm>>
      tpu.enqueue_dma source(%dma_start3A_24 : memref<64xi32, #tpu.memory_space<hbm>>) target(%arg5 : memref<64xi32, #tpu.memory_space<vmem>>) target_semaphore(%run_scoped3A_16 : memref<!tpu.dma_semaphore, #tpu.memory_space<semaphore_mem>>)
      %dma_wait3A_25 = arith.constant 0 : i32
      %dma_wait3A_26 = tpu.memref_slice %arg3[%run_scoped3A, %dma_wait3A_25] : memref<2x2048xi32, #tpu.memory_space<hbm>> -> memref<1x2048xi32, #tpu.memory_space<hbm>>
      %dma_wait3A_27 = tpu.memref_squeeze %dma_wait3A_26 : memref<1x2048xi32, #tpu.memory_space<hbm>> -> memref<2048xi32, #tpu.memory_space<hbm>>
      %dma_wait3A_28 = tpu.memref_slice %dma_wait3A_27[%mul3A_2] : memref<2048xi32, #tpu.memory_space<hbm>> -> memref<64xi32, #tpu.memory_space<hbm>>
      %dma_wait3A_29 = arith.constant 0 : i32
      %dma_wait3A_30 = tpu.memref_slice %arg3[%run_scoped3A, %dma_wait3A_29] : memref<2x2048xi32, #tpu.memory_space<hbm>> -> memref<1x2048xi32, #tpu.memory_space<hbm>>
      %dma_wait3A_31 = tpu.memref_squeeze %dma_wait3A_30 : memref<1x2048xi32, #tpu.memory_space<hbm>> -> memref<2048xi32, #tpu.memory_space<hbm>>
      %dma_wait3A_32 = tpu.memref_slice %dma_wait3A_31[%mul3A_2] : memref<2048xi32, #tpu.memory_space<hbm>> -> memref<64xi32, #tpu.memory_space<hbm>>
      tpu.wait_dma2 semaphore(%run_scoped3A_16 : memref<!tpu.dma_semaphore, #tpu.memory_space<semaphore_mem>>) src(%dma_wait3A_32 : memref<64xi32, #tpu.memory_space<hbm>>) dst(%arg5 : memref<64xi32, #tpu.memory_space<vmem>>)
      tpu.yield
    }) : () -> ()
    %run_scoped3A_3 = arith.constant 1 : i32
    "tpu.region"() ({
      %run_scoped3A_16 = tpu.sem_alloc : memref<!tpu.dma_semaphore, #tpu.memory_space<semaphore_mem>>
      %dma_start3A_17 = arith.constant 0 : i32
      %dma_start3A_18 = tpu.memref_slice %arg3[%run_scoped3A_3, %dma_start3A_17] : memref<2x2048xi32, #tpu.memory_space<hbm>> -> memref<1x2048xi32, #tpu.memory_space<hbm>>
      %dma_start3A_19 = tpu.memref_squeeze %dma_start3A_18 : memref<1x2048xi32, #tpu.memory_space<hbm>> -> memref<2048xi32, #tpu.memory_space<hbm>>
      %dma_start3A_20 = tpu.memref_slice %dma_start3A_19[%mul3A_2] : memref<2048xi32, #tpu.memory_space<hbm>> -> memref<64xi32, #tpu.memory_space<hbm>>
      %dma_start3A_21 = arith.constant 0 : i32
      %dma_start3A_22 = tpu.memref_slice %arg3[%run_scoped3A_3, %dma_start3A_21] : memref<2x2048xi32, #tpu.memory_space<hbm>> -> memref<1x2048xi32, #tpu.memory_space<hbm>>
      %dma_start3A_23 = tpu.memref_squeeze %dma_start3A_22 : memref<1x2048xi32, #tpu.memory_space<hbm>> -> memref<2048xi32, #tpu.memory_space<hbm>>
      %dma_start3A_24 = tpu.memref_slice %dma_start3A_23[%mul3A_2] : memref<2048xi32, #tpu.memory_space<hbm>> -> memref<64xi32, #tpu.memory_space<hbm>>
      tpu.enqueue_dma source(%dma_start3A_24 : memref<64xi32, #tpu.memory_space<hbm>>) target(%arg6 : memref<64xi32, #tpu.memory_space<vmem>>) target_semaphore(%run_scoped3A_16 : memref<!tpu.dma_semaphore, #tpu.memory_space<semaphore_mem>>)
      %dma_wait3A_25 = arith.constant 0 : i32
      %dma_wait3A_26 = tpu.memref_slice %arg3[%run_scoped3A_3, %dma_wait3A_25] : memref<2x2048xi32, #tpu.memory_space<hbm>> -> memref<1x2048xi32, #tpu.memory_space<hbm>>
      %dma_wait3A_27 = tpu.memref_squeeze %dma_wait3A_26 : memref<1x2048xi32, #tpu.memory_space<hbm>> -> memref<2048xi32, #tpu.memory_space<hbm>>
      %dma_wait3A_28 = tpu.memref_slice %dma_wait3A_27[%mul3A_2] : memref<2048xi32, #tpu.memory_space<hbm>> -> memref<64xi32, #tpu.memory_space<hbm>>
      %dma_wait3A_29 = arith.constant 0 : i32
      %dma_wait3A_30 = tpu.memref_slice %arg3[%run_scoped3A_3, %dma_wait3A_29] : memref<2x2048xi32, #tpu.memory_space<hbm>> -> memref<1x2048xi32, #tpu.memory_space<hbm>>
      %dma_wait3A_31 = tpu.memref_squeeze %dma_wait3A_30 : memref<1x2048xi32, #tpu.memory_space<hbm>> -> memref<2048xi32, #tpu.memory_space<hbm>>
      %dma_wait3A_32 = tpu.memref_slice %dma_wait3A_31[%mul3A_2] : memref<2048xi32, #tpu.memory_space<hbm>> -> memref<64xi32, #tpu.memory_space<hbm>>
      tpu.wait_dma2 semaphore(%run_scoped3A_16 : memref<!tpu.dma_semaphore, #tpu.memory_space<semaphore_mem>>) src(%dma_wait3A_32 : memref<64xi32, #tpu.memory_space<hbm>>) dst(%arg6 : memref<64xi32, #tpu.memory_space<vmem>>)
      tpu.yield
    }) : () -> ()
    %dma_start3A = arith.constant 0 : i32
    %dma_start3A_4 = arith.constant 0 : i32
    %dma_start3A_5 = tpu.memref_slice %arg2[%dma_start3A, %dma_start3A_4] : memref<6144x768xf32, #tpu.memory_space<hbm>> -> memref<6144x768xf32, #tpu.memory_space<hbm>>
    tpu.enqueue_indirect_dma source(%dma_start3A_5 : memref<6144x768xf32, #tpu.memory_space<hbm>>) target(%arg7 : memref<64x768xf32, #tpu.memory_space<vmem>>) offsets(%arg5 : memref<64xi32, #tpu.memory_space<vmem>>) semaphore(%arg9 : memref<!tpu.dma_semaphore, #tpu.memory_space<semaphore_mem>>)
    %dma_start3A_6 = arith.constant 0 : i32
    %dma_start3A_7 = arith.constant 0 : i32
    %dma_start3A_8 = tpu.memref_slice %arg2[%dma_start3A_6, %dma_start3A_7] : memref<6144x768xf32, #tpu.memory_space<hbm>> -> memref<6144x768xf32, #tpu.memory_space<hbm>>
    tpu.enqueue_indirect_dma source(%dma_start3A_8 : memref<6144x768xf32, #tpu.memory_space<hbm>>) target(%arg8 : memref<64x768xf32, #tpu.memory_space<vmem>>) offsets(%arg6 : memref<64xi32, #tpu.memory_space<vmem>>) semaphore(%arg10 : memref<!tpu.dma_semaphore, #tpu.memory_space<semaphore_mem>>)
    %dma_wait3A = arith.constant 0 : i32
    %dma_wait3A_9 = arith.constant 0 : i32
    %dma_wait3A_10 = tpu.memref_slice %arg2[%dma_wait3A, %dma_wait3A_9] : memref<6144x768xf32, #tpu.memory_space<hbm>> -> memref<6144x768xf32, #tpu.memory_space<hbm>>
    tpu.wait_indirect_dma semaphore(%arg9 : memref<!tpu.dma_semaphore, #tpu.memory_space<semaphore_mem>>) src(%dma_wait3A_10 : memref<6144x768xf32, #tpu.memory_space<hbm>>) dst(%arg7 : memref<64x768xf32, #tpu.memory_space<vmem>>)
    %dma_wait3A_11 = arith.constant 0 : i32
    %dma_wait3A_12 = arith.constant 0 : i32
    %dma_wait3A_13 = tpu.memref_slice %arg2[%dma_wait3A_11, %dma_wait3A_12] : memref<6144x768xf32, #tpu.memory_space<hbm>> -> memref<6144x768xf32, #tpu.memory_space<hbm>>
    tpu.wait_indirect_dma semaphore(%arg10 : memref<!tpu.dma_semaphore, #tpu.memory_space<semaphore_mem>>) src(%dma_wait3A_13 : memref<6144x768xf32, #tpu.memory_space<hbm>>) dst(%arg8 : memref<64x768xf32, #tpu.memory_space<vmem>>)
    "tpu.region"() ({
      %run_scoped3A_16 = tpu.sem_alloc : memref<!tpu.dma_semaphore, #tpu.memory_space<semaphore_mem>>
      %dma_start3A_17 = arith.constant 0 : i32
      %dma_start3A_18 = tpu.memref_slice %arg4[%mul3A_2, %dma_start3A_17] : memref<4096x768xf32, #tpu.memory_space<hbm>> -> memref<64x768xf32, #tpu.memory_space<hbm>>
      %dma_start3A_19 = arith.constant 0 : i32
      %dma_start3A_20 = tpu.memref_slice %arg4[%mul3A_2, %dma_start3A_19] : memref<4096x768xf32, #tpu.memory_space<hbm>> -> memref<64x768xf32, #tpu.memory_space<hbm>>
      tpu.enqueue_dma source(%arg7 : memref<64x768xf32, #tpu.memory_space<vmem>>) target(%dma_start3A_20 : memref<64x768xf32, #tpu.memory_space<hbm>>) target_semaphore(%run_scoped3A_16 : memref<!tpu.dma_semaphore, #tpu.memory_space<semaphore_mem>>)
      %dma_wait3A_21 = arith.constant 0 : i32
      %dma_wait3A_22 = tpu.memref_slice %arg4[%mul3A_2, %dma_wait3A_21] : memref<4096x768xf32, #tpu.memory_space<hbm>> -> memref<64x768xf32, #tpu.memory_space<hbm>>
      %dma_wait3A_23 = arith.constant 0 : i32
      %dma_wait3A_24 = tpu.memref_slice %arg4[%mul3A_2, %dma_wait3A_23] : memref<4096x768xf32, #tpu.memory_space<hbm>> -> memref<64x768xf32, #tpu.memory_space<hbm>>
      tpu.wait_dma2 semaphore(%run_scoped3A_16 : memref<!tpu.dma_semaphore, #tpu.memory_space<semaphore_mem>>) src(%arg7 : memref<64x768xf32, #tpu.memory_space<vmem>>) dst(%dma_wait3A_24 : memref<64x768xf32, #tpu.memory_space<hbm>>)
      tpu.yield
    }) : () -> ()
    %add3A_14 = arith.constant 2048 : i32
    %add3A_15 = arith.addi %add3A_14, %mul3A_2 : i32
    "tpu.region"() ({
      %run_scoped3A_16 = tpu.sem_alloc : memref<!tpu.dma_semaphore, #tpu.memory_space<semaphore_mem>>
      %dma_start3A_17 = arith.constant 0 : i32
      %dma_start3A_18 = tpu.memref_slice %arg4[%add3A_15, %dma_start3A_17] : memref<4096x768xf32, #tpu.memory_space<hbm>> -> memref<64x768xf32, #tpu.memory_space<hbm>>
      %dma_start3A_19 = arith.constant 0 : i32
      %dma_start3A_20 = tpu.memref_slice %arg4[%add3A_15, %dma_start3A_19] : memref<4096x768xf32, #tpu.memory_space<hbm>> -> memref<64x768xf32, #tpu.memory_space<hbm>>
      tpu.enqueue_dma source(%arg8 : memref<64x768xf32, #tpu.memory_space<vmem>>) target(%dma_start3A_20 : memref<64x768xf32, #tpu.memory_space<hbm>>) target_semaphore(%run_scoped3A_16 : memref<!tpu.dma_semaphore, #tpu.memory_space<semaphore_mem>>)
      %dma_wait3A_21 = arith.constant 0 : i32
      %dma_wait3A_22 = tpu.memref_slice %arg4[%add3A_15, %dma_wait3A_21] : memref<4096x768xf32, #tpu.memory_space<hbm>> -> memref<64x768xf32, #tpu.memory_space<hbm>>
      %dma_wait3A_23 = arith.constant 0 : i32
      %dma_wait3A_24 = tpu.memref_slice %arg4[%add3A_15, %dma_wait3A_23] : memref<4096x768xf32, #tpu.memory_space<hbm>> -> memref<64x768xf32, #tpu.memory_space<hbm>>
      tpu.wait_dma2 semaphore(%run_scoped3A_16 : memref<!tpu.dma_semaphore, #tpu.memory_space<semaphore_mem>>) src(%arg8 : memref<64x768xf32, #tpu.memory_space<vmem>>) dst(%dma_wait3A_24 : memref<64x768xf32, #tpu.memory_space<hbm>>)
      tpu.yield
    }) : () -> ()
    return
  }
}

#map = affine_map<(d0, d1) -> (0, 0)>
module attributes {stable_mosaic.version = 14 : i64} {
  func.func @_sc_scatter_x(%arg0: i32, %arg1: i32, %arg2: memref<2048x768xf32, #tpu.memory_space<hbm>>, %arg3: memref<32x128xi32, #tpu.memory_space<hbm>>, %arg4: memref<6144x768xf32, #tpu.memory_space<hbm>>, %arg5: memref<128xi32, #tpu.memory_space<vmem>>, %arg6: memref<128x768xf32, #tpu.memory_space<vmem>>, %arg7: memref<!tpu.dma_semaphore, #tpu.memory_space<semaphore_mem>>) attributes {dimension_semantics = [#tpu.dimension_semantics<core_parallel>, #tpu.dimension_semantics<subcore_parallel>], iteration_bounds = array<i64: 2, 16>, scalar_prefetch = 0 : i64, scratch_operands = 3 : i64, tpu.core_type = #tpu.core_type<sc_vector_subcore>, window_params = [{transform_indices = #map}, {transform_indices = #map}, {transform_indices = #map}]} {
    %mul3A = arith.constant 2 : i32
    %mul3A_0 = arith.muli %arg1, %mul3A : i32
    %add3A = arith.addi %mul3A_0, %arg0 : i32
    "tpu.region"() ({
      %run_scoped3A = tpu.sem_alloc : memref<!tpu.dma_semaphore, #tpu.memory_space<semaphore_mem>>
      %dma_start3A_8 = arith.constant 0 : i32
      %dma_start3A_9 = tpu.memref_slice %arg3[%add3A, %dma_start3A_8] : memref<32x128xi32, #tpu.memory_space<hbm>> -> memref<1x128xi32, #tpu.memory_space<hbm>>
      %dma_start3A_10 = tpu.memref_squeeze %dma_start3A_9 : memref<1x128xi32, #tpu.memory_space<hbm>> -> memref<128xi32, #tpu.memory_space<hbm>>
      %dma_start3A_11 = arith.constant 0 : i32
      %dma_start3A_12 = tpu.memref_slice %arg3[%add3A, %dma_start3A_11] : memref<32x128xi32, #tpu.memory_space<hbm>> -> memref<1x128xi32, #tpu.memory_space<hbm>>
      %dma_start3A_13 = tpu.memref_squeeze %dma_start3A_12 : memref<1x128xi32, #tpu.memory_space<hbm>> -> memref<128xi32, #tpu.memory_space<hbm>>
      tpu.enqueue_dma source(%dma_start3A_13 : memref<128xi32, #tpu.memory_space<hbm>>) target(%arg5 : memref<128xi32, #tpu.memory_space<vmem>>) target_semaphore(%run_scoped3A : memref<!tpu.dma_semaphore, #tpu.memory_space<semaphore_mem>>)
      %dma_wait3A_14 = arith.constant 0 : i32
      %dma_wait3A_15 = tpu.memref_slice %arg3[%add3A, %dma_wait3A_14] : memref<32x128xi32, #tpu.memory_space<hbm>> -> memref<1x128xi32, #tpu.memory_space<hbm>>
      %dma_wait3A_16 = tpu.memref_squeeze %dma_wait3A_15 : memref<1x128xi32, #tpu.memory_space<hbm>> -> memref<128xi32, #tpu.memory_space<hbm>>
      %dma_wait3A_17 = arith.constant 0 : i32
      %dma_wait3A_18 = tpu.memref_slice %arg3[%add3A, %dma_wait3A_17] : memref<32x128xi32, #tpu.memory_space<hbm>> -> memref<1x128xi32, #tpu.memory_space<hbm>>
      %dma_wait3A_19 = tpu.memref_squeeze %dma_wait3A_18 : memref<1x128xi32, #tpu.memory_space<hbm>> -> memref<128xi32, #tpu.memory_space<hbm>>
      tpu.wait_dma2 semaphore(%run_scoped3A : memref<!tpu.dma_semaphore, #tpu.memory_space<semaphore_mem>>) src(%dma_wait3A_19 : memref<128xi32, #tpu.memory_space<hbm>>) dst(%arg5 : memref<128xi32, #tpu.memory_space<vmem>>)
      tpu.yield
    }) : () -> ()
    %mul3A_1 = arith.constant 128 : i32
    %mul3A_2 = arith.muli %add3A, %mul3A_1 : i32
    %rem3A = arith.constant 2048 : i32
    %rem3A_3 = arith.remsi %mul3A_2, %rem3A : i32
    "tpu.region"() ({
      %run_scoped3A = tpu.sem_alloc : memref<!tpu.dma_semaphore, #tpu.memory_space<semaphore_mem>>
      %dma_start3A_8 = arith.constant 0 : i32
      %dma_start3A_9 = tpu.memref_slice %arg2[%rem3A_3, %dma_start3A_8] : memref<2048x768xf32, #tpu.memory_space<hbm>> -> memref<128x768xf32, #tpu.memory_space<hbm>>
      %dma_start3A_10 = arith.constant 0 : i32
      %dma_start3A_11 = tpu.memref_slice %arg2[%rem3A_3, %dma_start3A_10] : memref<2048x768xf32, #tpu.memory_space<hbm>> -> memref<128x768xf32, #tpu.memory_space<hbm>>
      tpu.enqueue_dma source(%dma_start3A_11 : memref<128x768xf32, #tpu.memory_space<hbm>>) target(%arg6 : memref<128x768xf32, #tpu.memory_space<vmem>>) target_semaphore(%run_scoped3A : memref<!tpu.dma_semaphore, #tpu.memory_space<semaphore_mem>>)
      %dma_wait3A_12 = arith.constant 0 : i32
      %dma_wait3A_13 = tpu.memref_slice %arg2[%rem3A_3, %dma_wait3A_12] : memref<2048x768xf32, #tpu.memory_space<hbm>> -> memref<128x768xf32, #tpu.memory_space<hbm>>
      %dma_wait3A_14 = arith.constant 0 : i32
      %dma_wait3A_15 = tpu.memref_slice %arg2[%rem3A_3, %dma_wait3A_14] : memref<2048x768xf32, #tpu.memory_space<hbm>> -> memref<128x768xf32, #tpu.memory_space<hbm>>
      tpu.wait_dma2 semaphore(%run_scoped3A : memref<!tpu.dma_semaphore, #tpu.memory_space<semaphore_mem>>) src(%dma_wait3A_15 : memref<128x768xf32, #tpu.memory_space<hbm>>) dst(%arg6 : memref<128x768xf32, #tpu.memory_space<vmem>>)
      tpu.yield
    }) : () -> ()
    %dma_start3A = arith.constant 0 : i32
    %dma_start3A_4 = arith.constant 0 : i32
    %dma_start3A_5 = tpu.memref_slice %arg4[%dma_start3A, %dma_start3A_4] : memref<6144x768xf32, #tpu.memory_space<hbm>> -> memref<6144x768xf32, #tpu.memory_space<hbm>>
    tpu.enqueue_indirect_dma source(%arg6 : memref<128x768xf32, #tpu.memory_space<vmem>>) target(%dma_start3A_5 : memref<6144x768xf32, #tpu.memory_space<hbm>>) offsets(%arg5 : memref<128xi32, #tpu.memory_space<vmem>>) semaphore(%arg7 : memref<!tpu.dma_semaphore, #tpu.memory_space<semaphore_mem>>)
    %dma_wait3A = arith.constant 0 : i32
    %dma_wait3A_6 = arith.constant 0 : i32
    %dma_wait3A_7 = tpu.memref_slice %arg4[%dma_wait3A, %dma_wait3A_6] : memref<6144x768xf32, #tpu.memory_space<hbm>> -> memref<6144x768xf32, #tpu.memory_space<hbm>>
    tpu.wait_indirect_dma semaphore(%arg7 : memref<!tpu.dma_semaphore, #tpu.memory_space<semaphore_mem>>) src(%arg6 : memref<128x768xf32, #tpu.memory_space<vmem>>) dst(%dma_wait3A_7 : memref<6144x768xf32, #tpu.memory_space<hbm>>)
    return
  }
}

module attributes {stable_mosaic.version = 14 : i64} {
  func.func @_router_body(%arg0: i32, %arg1: memref<256x768xf32, #tpu.memory_space<vmem>>, %arg2: memref<768x8xf32, #tpu.memory_space<vmem>>, %arg3: memref<2x256xi32, #tpu.memory_space<vmem>>, %arg4: memref<2x256xf32, #tpu.memory_space<vmem>>, %arg5: memref<8x8xf32, #tpu.memory_space<vmem>>, %arg6: memref<1x8xf32, #tpu.memory_space<vmem>>) attributes {dimension_semantics = [#tpu.dimension_semantics<arbitrary>], iteration_bounds = array<i64: 8>, scalar_prefetch = 0 : i64, scratch_operands = 1 : i64, tpu.core_type = #tpu.core_type<tc>, window_params = [{transform_indices = @transform_0, window_bounds = array<i64: 256, 768>}, {pipeline_mode = #tpu.pipeline_mode<synchronous>, transform_indices = @transform_1, window_bounds = array<i64: 768, 8>}, {transform_indices = @transform_2, window_bounds = array<i64: 2, 256>}, {transform_indices = @transform_3, window_bounds = array<i64: 2, 256>}, {pipeline_mode = #tpu.pipeline_mode<synchronous>, transform_indices = @transform_4, window_bounds = array<i64: 8, 8>}]} {
    %eq3A = arith.constant 0 : i32
    %eq3A_0 = arith.cmpi eq, %arg0, %eq3A : i32
    %convert_element_type3A = arith.extui %eq3A_0 : i1 to i32
    %cond3A = arith.constant 0 : i32
    %cond3A_1 = arith.cmpi ne, %convert_element_type3A, %cond3A : i32
    scf.if %cond3A_1 {
      %broadcast_in_dim3A_136 = arith.constant 0.000000e+00 : f32
      %broadcast_in_dim3A_137 = vector.broadcast %broadcast_in_dim3A_136 : f32 to vector<1x8xf32>
      %swap3A_138 = arith.constant 0 : index
      %swap3A_139 = arith.constant 0 : index
      %swap3A_140 = vector.load %arg6[%swap3A_138, %swap3A_139] : memref<1x8xf32, #tpu.memory_space<vmem>>, vector<1x8xf32>
      tpu.vector_store %arg6[%swap3A_138, %swap3A_139], %broadcast_in_dim3A_137 {strides = array<i32>} : memref<1x8xf32, #tpu.memory_space<vmem>>, vector<1x8xf32>,
      %broadcast_in_dim3A_141 = arith.constant 0.000000e+00 : f32
      %broadcast_in_dim3A_142 = vector.broadcast %broadcast_in_dim3A_141 : f32 to vector<8x8xf32>
      %swap3A_143 = arith.constant 0 : index
      %swap3A_144 = arith.constant 0 : index
      %swap3A_145 = vector.load %arg5[%swap3A_143, %swap3A_144] : memref<8x8xf32, #tpu.memory_space<vmem>>, vector<8x8xf32>
      tpu.vector_store %arg5[%swap3A_143, %swap3A_144], %broadcast_in_dim3A_142 {strides = array<i32>} : memref<8x8xf32, #tpu.memory_space<vmem>>, vector<8x8xf32>,
    } else {
    }
    %get3A = arith.constant 0 : index
    %get3A_2 = arith.constant 0 : index
    %get3A_3 = vector.load %arg1[%get3A, %get3A_2] : memref<256x768xf32, #tpu.memory_space<vmem>>, vector<256x768xf32>
    %get3A_4 = arith.constant 0 : index
    %get3A_5 = arith.constant 0 : index
    %get3A_6 = vector.load %arg2[%get3A_4, %get3A_5] : memref<768x8xf32, #tpu.memory_space<vmem>>, vector<768x8xf32>
    %dot_general3A = arith.constant dense<0.000000e+00> : vector<256x8xf32>
    %dot_general3A_7 = tpu.matmul %get3A_3, %get3A_6, %dot_general3A {dimension_numbers = #tpu.dot_dimension_numbers<[1], [0], [0], [1], [0, 0, 1, 1], [], []>, transpose_lhs_hint = false} : vector<256x768xf32>, vector<768x8xf32>, vector<256x8xf32> -> vector<256x8xf32>
    %iota3A = tpu.iota {dimensions = array<i32: 1>} : vector<256x8xi32>
    %reduce_max3A = arith.constant dense<0xFF800000> : vector<256xf32>
    %reduce_max3A_8 = vector.multi_reduction <maximumf>, %dot_general3A_7, %reduce_max3A [1] : vector<256x8xf32> to vector<256xf32>
    %argmax3A = tpu.reduce_index %dot_general3A_7 {axis = 1 : i32, kind = #tpu.reduction_kind<arg_max>} : vector<256x8xf32> -> vector<256xi32>
    %broadcast_in_dim3A = vector.shape_cast %argmax3A : vector<256xi32> to vector<256x1xi32>
    %eq3A_9 = vector.broadcast %broadcast_in_dim3A : vector<256x1xi32> to vector<256x8xi32>
    %eq3A_10 = arith.cmpi eq, %iota3A, %eq3A_9 : vector<256x8xi32>
    %jit3A = arith.constant 0xFF800000 : f32
    %broadcast_in_dim3A_11 = vector.broadcast %jit3A : f32 to vector<256x8xf32>
    %select_n3A = arith.select %eq3A_10, %broadcast_in_dim3A_11, %dot_general3A_7 : vector<256x8xi1>, vector<256x8xf32>
    %reduce_max3A_12 = arith.constant dense<0xFF800000> : vector<256xf32>
    %reduce_max3A_13 = vector.multi_reduction <maximumf>, %select_n3A, %reduce_max3A_12 [1] : vector<256x8xf32> to vector<256xf32>
    %argmax3A_14 = tpu.reduce_index %select_n3A {axis = 1 : i32, kind = #tpu.reduction_kind<arg_max>} : vector<256x8xf32> -> vector<256xi32>
    %sub3A = arith.subf %reduce_max3A_13, %reduce_max3A_8 : vector<256xf32>
    %exp3A = math.exp %sub3A : vector<256xf32>
    %add3A = arith.constant 1.000000e+00 : f32
    %add3A_15 = vector.broadcast %add3A : f32 to vector<256xf32>
    %add3A_16 = arith.addf %add3A_15, %exp3A : vector<256xf32>
    %div3A = arith.constant 1.000000e+00 : f32
    %div3A_17 = vector.broadcast %div3A : f32 to vector<256xf32>
    %div3A_18 = arith.divf %div3A_17, %add3A_16 : vector<256xf32>
    %mul3A = arith.mulf %exp3A, %div3A_18 : vector<256xf32>
    %broadcast_in_dim3A_19 = vector.shape_cast %argmax3A : vector<256xi32> to vector<256x1xi32>
    %eq3A_20 = vector.broadcast %broadcast_in_dim3A_19 : vector<256x1xi32> to vector<256x8xi32>
    %eq3A_21 = arith.cmpi eq, %iota3A, %eq3A_20 : vector<256x8xi32>
    %convert_element_type3A_22 = arith.extui %eq3A_21 : vector<256x8xi1> to vector<256x8xi32>
    %convert_element_type3A_23 = arith.sitofp %convert_element_type3A_22 : vector<256x8xi32> to vector<256x8xf32>
    %broadcast_in_dim3A_24 = vector.shape_cast %argmax3A_14 : vector<256xi32> to vector<256x1xi32>
    %eq3A_25 = vector.broadcast %broadcast_in_dim3A_24 : vector<256x1xi32> to vector<256x8xi32>
    %eq3A_26 = arith.cmpi eq, %iota3A, %eq3A_25 : vector<256x8xi32>
    %convert_element_type3A_27 = arith.extui %eq3A_26 : vector<256x8xi1> to vector<256x8xi32>
    %convert_element_type3A_28 = arith.sitofp %convert_element_type3A_27 : vector<256x8xi32> to vector<256x8xf32>
    %iota3A_29 = tpu.iota {dimensions = array<i32: 0>} : vector<256x256xi32>
    %iota3A_30 = tpu.iota {dimensions = array<i32: 1>} : vector<256x256xi32>
    %gt3A = arith.cmpi sgt, %iota3A_29, %iota3A_30 : vector<256x256xi32>
    %convert_element_type3A_31 = arith.extui %gt3A : vector<256x256xi1> to vector<256x256xi32>
    %convert_element_type3A_32 = arith.sitofp %convert_element_type3A_31 : vector<256x256xi32> to vector<256x256xf32>
    %dot_general3A_33 = arith.constant dense<0.000000e+00> : vector<256x8xf32>
    %dot_general3A_34 = tpu.matmul %convert_element_type3A_32, %convert_element_type3A_23, %dot_general3A_33 {dimension_numbers = #tpu.dot_dimension_numbers<[1], [0], [0], [1], [0, 0, 1, 1], [], []>, transpose_lhs_hint = false} : vector<256x256xf32>, vector<256x8xf32>, vector<256x8xf32> -> vector<256x8xf32>
    %dot_general3A_35 = arith.constant dense<0.000000e+00> : vector<256x8xf32>
    %dot_general3A_36 = tpu.matmul %convert_element_type3A_32, %convert_element_type3A_28, %dot_general3A_35 {dimension_numbers = #tpu.dot_dimension_numbers<[1], [0], [0], [1], [0, 0, 1, 1], [], []>, transpose_lhs_hint = false} : vector<256x256xf32>, vector<256x8xf32>, vector<256x8xf32> -> vector<256x8xf32>
    %reduce_sum3A = arith.constant dense<0.000000e+00> : vector<8xf32>
    %reduce_sum3A_37 = vector.multi_reduction <add>, %convert_element_type3A_23, %reduce_sum3A [0] : vector<256x8xf32> to vector<8xf32>
    %broadcast_in_dim3A_38 = vector.shape_cast %reduce_sum3A_37 : vector<8xf32> to vector<1x8xf32>
    %reduce_sum3A_39 = arith.constant dense<0.000000e+00> : vector<8xf32>
    %reduce_sum3A_40 = vector.multi_reduction <add>, %convert_element_type3A_28, %reduce_sum3A_39 [0] : vector<256x8xf32> to vector<8xf32>
    %broadcast_in_dim3A_41 = vector.shape_cast %reduce_sum3A_40 : vector<8xf32> to vector<1x8xf32>
    %get3A_42 = arith.constant 0 : index
    %get3A_43 = arith.constant 0 : index
    %get3A_44 = vector.load %arg6[%get3A_42, %get3A_43] : memref<1x8xf32, #tpu.memory_space<vmem>>, vector<1x8xf32>
    %add3A_45 = vector.broadcast %get3A_44 : vector<1x8xf32> to vector<256x8xf32>
    %add3A_46 = arith.addf %add3A_45, %dot_general3A_34 : vector<256x8xf32>
    %mul3A_47 = arith.mulf %add3A_46, %convert_element_type3A_23 : vector<256x8xf32>
    %reduce_sum3A_48 = arith.constant dense<0.000000e+00> : vector<256xf32>
    %reduce_sum3A_49 = vector.multi_reduction <add>, %mul3A_47, %reduce_sum3A_48 [1] : vector<256x8xf32> to vector<256xf32>
    %add3A_50 = arith.addf %get3A_44, %broadcast_in_dim3A_38 : vector<1x8xf32>
    %add3A_51 = vector.broadcast %add3A_50 : vector<1x8xf32> to vector<256x8xf32>
    %add3A_52 = arith.addf %add3A_51, %dot_general3A_36 : vector<256x8xf32>
    %mul3A_53 = arith.mulf %add3A_52, %convert_element_type3A_28 : vector<256x8xf32>
    %reduce_sum3A_54 = arith.constant dense<0.000000e+00> : vector<256xf32>
    %reduce_sum3A_55 = vector.multi_reduction <add>, %mul3A_53, %reduce_sum3A_54 [1] : vector<256x8xf32> to vector<256xf32>
    %mul3A_56 = arith.constant 2048 : i32
    %mul3A_57 = vector.broadcast %mul3A_56 : i32 to vector<256xi32>
    %mul3A_58 = arith.muli %argmax3A, %mul3A_57 : vector<256xi32>
    %convert_element_type3A_59 = arith.fptosi %reduce_sum3A_49 : vector<256xf32> to vector<256xi32>
    %add3A_60 = arith.addi %mul3A_58, %convert_element_type3A_59 : vector<256xi32>
    %mul3A_61 = arith.constant 2048 : i32
    %mul3A_62 = vector.broadcast %mul3A_61 : i32 to vector<256xi32>
    %mul3A_63 = arith.muli %argmax3A_14, %mul3A_62 : vector<256xi32>
    %convert_element_type3A_64 = arith.fptosi %reduce_sum3A_55 : vector<256xf32> to vector<256xi32>
    %add3A_65 = arith.addi %mul3A_63, %convert_element_type3A_64 : vector<256xi32>
    %stack3A = vector.shape_cast %add3A_60 : vector<256xi32> to vector<1x256xi32>
    %stack3A_66 = vector.shape_cast %add3A_65 : vector<256xi32> to vector<1x256xi32>
    %stack3A_67 = tpu.concatenate %stack3A, %stack3A_66 in 0 : vector<1x256xi32>, vector<1x256xi32> -> vector<2x256xi32>
    %swap3A = arith.constant 0 : index
    %swap3A_68 = arith.constant 0 : index
    %swap3A_69 = vector.load %arg3[%swap3A, %swap3A_68] : memref<2x256xi32, #tpu.memory_space<vmem>>, vector<2x256xi32>
    tpu.vector_store %arg3[%swap3A, %swap3A_68], %stack3A_67 {strides = array<i32>} : memref<2x256xi32, #tpu.memory_space<vmem>>, vector<2x256xi32>,
    %stack3A_70 = vector.shape_cast %div3A_18 : vector<256xf32> to vector<1x256xf32>
    %stack3A_71 = vector.shape_cast %mul3A : vector<256xf32> to vector<1x256xf32>
    %stack3A_72 = tpu.concatenate %stack3A_70, %stack3A_71 in 0 : vector<1x256xf32>, vector<1x256xf32> -> vector<2x256xf32>
    %swap3A_73 = arith.constant 0 : index
    %swap3A_74 = arith.constant 0 : index
    %swap3A_75 = vector.load %arg4[%swap3A_73, %swap3A_74] : memref<2x256xf32, #tpu.memory_space<vmem>>, vector<2x256xf32>
    tpu.vector_store %arg4[%swap3A_73, %swap3A_74], %stack3A_72 {strides = array<i32>} : memref<2x256xf32, #tpu.memory_space<vmem>>, vector<2x256xf32>,
    %add3A_76 = arith.addf %get3A_44, %broadcast_in_dim3A_38 : vector<1x8xf32>
    %add3A_77 = arith.addf %add3A_76, %broadcast_in_dim3A_41 : vector<1x8xf32>
    %swap3A_78 = arith.constant 0 : index
    %swap3A_79 = arith.constant 0 : index
    %swap3A_80 = vector.load %arg6[%swap3A_78, %swap3A_79] : memref<1x8xf32, #tpu.memory_space<vmem>>, vector<1x8xf32>
    tpu.vector_store %arg6[%swap3A_78, %swap3A_79], %add3A_77 {strides = array<i32>} : memref<1x8xf32, #tpu.memory_space<vmem>>, vector<1x8xf32>,
    %reduce_max3A_81 = arith.constant dense<0xFF800000> : vector<256xf32>
    %reduce_max3A_82 = vector.multi_reduction <maximumf>, %dot_general3A_7, %reduce_max3A_81 [1] : vector<256x8xf32> to vector<256xf32>
    %max3A = arith.constant 0xFF800000 : f32
    %max3A_83 = vector.broadcast %max3A : f32 to vector<256xf32>
    %max3A_84 = arith.maximumf %max3A_83, %reduce_max3A_82 : vector<256xf32>
    %broadcast_in_dim3A_85 = vector.shape_cast %max3A_84 : vector<256xf32> to vector<256x1xf32>
    %sub3A_86 = vector.broadcast %broadcast_in_dim3A_85 : vector<256x1xf32> to vector<256x8xf32>
    %sub3A_87 = arith.subf %dot_general3A_7, %sub3A_86 : vector<256x8xf32>
    %exp3A_88 = math.exp %sub3A_87 : vector<256x8xf32>
    %reduce_sum3A_89 = arith.constant dense<0.000000e+00> : vector<256xf32>
    %reduce_sum3A_90 = vector.multi_reduction <add>, %exp3A_88, %reduce_sum3A_89 [1] : vector<256x8xf32> to vector<256xf32>
    %broadcast_in_dim3A_91 = vector.shape_cast %reduce_sum3A_90 : vector<256xf32> to vector<256x1xf32>
    %div3A_92 = vector.broadcast %broadcast_in_dim3A_91 : vector<256x1xf32> to vector<256x8xf32>
    %div3A_93 = arith.divf %exp3A_88, %div3A_92 : vector<256x8xf32>
    %reduce_sum3A_94 = arith.constant dense<0.000000e+00> : vector<8xf32>
    %reduce_sum3A_95 = vector.multi_reduction <add>, %div3A_93, %reduce_sum3A_94 [0] : vector<256x8xf32> to vector<8xf32>
    %broadcast_in_dim3A_96 = vector.shape_cast %reduce_sum3A_95 : vector<8xf32> to vector<1x8xf32>
    %mul3A_97 = arith.mulf %dot_general3A_7, %dot_general3A_7 : vector<256x8xf32>
    %reduce_sum3A_98 = vector.shape_cast %mul3A_97 : vector<256x8xf32> to vector<1x256x8xf32>
    %reduce_sum3A_99 = arith.constant dense<0.000000e+00> : vector<1xf32>
    %reduce_sum3A_100 = vector.multi_reduction <add>, %reduce_sum3A_98, %reduce_sum3A_99 [1, 2] : vector<1x256x8xf32> to vector<1xf32>
    %reduce_sum3A_101 = vector.shape_cast %reduce_sum3A_100 : vector<1xf32> to vector<1x1x1xf32>
    %reduce_sum3A_102 = vector.extract %reduce_sum3A_101[0, 0, 0] : f32 from vector<1x1x1xf32>
    %iota3A_103 = tpu.iota {dimensions = array<i32: 0>} : vector<8x8xi32>
    %eq3A_104 = arith.constant 0 : i32
    %eq3A_105 = vector.broadcast %eq3A_104 : i32 to vector<8x8xi32>
    %eq3A_106 = arith.cmpi eq, %iota3A_103, %eq3A_105 : vector<8x8xi32>
    %eq3A_107 = arith.constant 1 : i32
    %eq3A_108 = vector.broadcast %eq3A_107 : i32 to vector<8x8xi32>
    %eq3A_109 = arith.cmpi eq, %iota3A_103, %eq3A_108 : vector<8x8xi32>
    %eq3A_110 = arith.constant 2 : i32
    %eq3A_111 = vector.broadcast %eq3A_110 : i32 to vector<8x8xi32>
    %eq3A_112 = arith.cmpi eq, %iota3A_103, %eq3A_111 : vector<8x8xi32>
    %add3A_113 = arith.addf %broadcast_in_dim3A_38, %broadcast_in_dim3A_41 : vector<1x8xf32>
    %broadcast_in_dim3A_114 = vector.broadcast %reduce_sum3A_102 : f32 to vector<8x8xf32>
    %broadcast_in_dim3A_115 = vector.shape_cast %add3A_113 : vector<1x8xf32> to vector<1x8xf32>
    %broadcast_in_dim3A_116 = vector.broadcast %broadcast_in_dim3A_115 : vector<1x8xf32> to vector<8x8xf32>
    %select_n3A_117 = arith.select %eq3A_112, %broadcast_in_dim3A_114, %broadcast_in_dim3A_116 : vector<8x8xi1>, vector<8x8xf32>
    %broadcast_in_dim3A_118 = vector.shape_cast %broadcast_in_dim3A_96 : vector<1x8xf32> to vector<1x8xf32>
    %broadcast_in_dim3A_119 = vector.broadcast %broadcast_in_dim3A_118 : vector<1x8xf32> to vector<8x8xf32>
    %select_n3A_120 = arith.select %eq3A_109, %broadcast_in_dim3A_119, %select_n3A_117 : vector<8x8xi1>, vector<8x8xf32>
    %broadcast_in_dim3A_121 = vector.shape_cast %broadcast_in_dim3A_38 : vector<1x8xf32> to vector<1x8xf32>
    %broadcast_in_dim3A_122 = vector.broadcast %broadcast_in_dim3A_121 : vector<1x8xf32> to vector<8x8xf32>
    %select_n3A_123 = arith.select %eq3A_106, %broadcast_in_dim3A_122, %select_n3A_120 : vector<8x8xi1>, vector<8x8xf32>
    %ge3A = arith.constant 4 : i32
    %ge3A_124 = vector.broadcast %ge3A : i32 to vector<8x8xi32>
    %ge3A_125 = arith.cmpi sge, %iota3A_103, %ge3A_124 : vector<8x8xi32>
    %jit3A_126 = arith.constant 0.000000e+00 : f32
    %broadcast_in_dim3A_127 = vector.broadcast %jit3A_126 : f32 to vector<8x8xf32>
    %select_n3A_128 = arith.select %ge3A_125, %broadcast_in_dim3A_127, %select_n3A_123 : vector<8x8xi1>, vector<8x8xf32>
    %get3A_129 = arith.constant 0 : index
    %get3A_130 = arith.constant 0 : index
    %get3A_131 = vector.load %arg5[%get3A_129, %get3A_130] : memref<8x8xf32, #tpu.memory_space<vmem>>, vector<8x8xf32>
    %add3A_132 = arith.addf %get3A_131, %select_n3A_128 : vector<8x8xf32>
    %swap3A_133 = arith.constant 0 : index
    %swap3A_134 = arith.constant 0 : index
    %swap3A_135 = vector.load %arg5[%swap3A_133, %swap3A_134] : memref<8x8xf32, #tpu.memory_space<vmem>>, vector<8x8xf32>
    tpu.vector_store %arg5[%swap3A_133, %swap3A_134], %add3A_132 {strides = array<i32>} : memref<8x8xf32, #tpu.memory_space<vmem>>, vector<8x8xf32>,
    return
  }
  func.func @transform_0(%arg0: i32) -> (i32, i32) {
    %c0_i32 = arith.constant 0 : i32
    %c0_i32_0 = arith.constant 0 : i32
    return %arg0, %c0_i32 : i32, i32
  }
  func.func @transform_1(%arg0: i32) -> (i32, i32) {
    %c0_i32 = arith.constant 0 : i32
    %c0_i32_0 = arith.constant 0 : i32
    %c0_i32_1 = arith.constant 0 : i32
    return %c0_i32, %c0_i32_0 : i32, i32
  }
  func.func @transform_2(%arg0: i32) -> (i32, i32) {
    %c0_i32 = arith.constant 0 : i32
    %c0_i32_0 = arith.constant 0 : i32
    return %c0_i32, %arg0 : i32, i32
  }
  func.func @transform_3(%arg0: i32) -> (i32, i32) {
    %c0_i32 = arith.constant 0 : i32
    %c0_i32_0 = arith.constant 0 : i32
    return %c0_i32, %arg0 : i32, i32
  }
  func.func @transform_4(%arg0: i32) -> (i32, i32) {
    %c0_i32 = arith.constant 0 : i32
    %c0_i32_0 = arith.constant 0 : i32
    %c0_i32_1 = arith.constant 0 : i32
    return %c0_i32, %c0_i32_0 : i32, i32
  }
}

module attributes {stable_mosaic.version = 14 : i64} {
  func.func @_meta_body(%arg0: i32, %arg1: memref<8x8xf32, #tpu.memory_space<vmem>>, %arg2: memref<2x2048xi32, #tpu.memory_space<vmem>>, %arg3: memref<2x2048xi32, #tpu.memory_space<vmem>>, %arg4: memref<1x64xi32, #tpu.memory_space<vmem>>, %arg5: memref<1x64xi32, #tpu.memory_space<vmem>>, %arg6: memref<1x1xf32, #tpu.memory_space<vmem>>) attributes {dimension_semantics = [#tpu.dimension_semantics<arbitrary>], iteration_bounds = array<i64: 1>, scalar_prefetch = 0 : i64, scratch_operands = 0 : i64, tpu.core_type = #tpu.core_type<tc>, window_params = [{pipeline_mode = #tpu.pipeline_mode<synchronous>, transform_indices = @transform_0, window_bounds = array<i64: 8, 8>}, {pipeline_mode = #tpu.pipeline_mode<synchronous>, transform_indices = @transform_1, window_bounds = array<i64: 2, 2048>}, {pipeline_mode = #tpu.pipeline_mode<synchronous>, transform_indices = @transform_2, window_bounds = array<i64: 2, 2048>}, {pipeline_mode = #tpu.pipeline_mode<synchronous>, transform_indices = @transform_3, window_bounds = array<i64: 1, 64>}, {pipeline_mode = #tpu.pipeline_mode<synchronous>, transform_indices = @transform_4, window_bounds = array<i64: 1, 64>}, {pipeline_mode = #tpu.pipeline_mode<synchronous>, transform_indices = @transform_5, window_bounds = array<i64: 1, 1>}]} {
    %get3A = arith.constant 0 : index
    %get3A_0 = arith.constant 0 : index
    %get3A_1 = vector.load %arg1[%get3A, %get3A_0] : memref<8x8xf32, #tpu.memory_space<vmem>>, vector<8x8xf32>
    %iota3A = tpu.iota {dimensions = array<i32: 0>} : vector<8x1xi32>
    %iota3A_2 = tpu.iota {dimensions = array<i32: 0>} : vector<8x8xi32>
    %eq3A = arith.constant 3 : i32
    %eq3A_3 = vector.broadcast %eq3A : i32 to vector<8x8xi32>
    %eq3A_4 = arith.cmpi eq, %iota3A_2, %eq3A_3 : vector<8x8xi32>
    %jit3A = arith.constant 0.000000e+00 : f32
    %broadcast_in_dim3A = vector.broadcast %jit3A : f32 to vector<8x8xf32>
    %select_n3A = arith.select %eq3A_4, %get3A_1, %broadcast_in_dim3A : vector<8x8xi1>, vector<8x8xf32>
    %reduce_sum3A = arith.constant dense<0.000000e+00> : vector<8xf32>
    %reduce_sum3A_5 = vector.multi_reduction <add>, %select_n3A, %reduce_sum3A [0] : vector<8x8xf32> to vector<8xf32>
    %broadcast_in_dim3A_6 = vector.shape_cast %reduce_sum3A_5 : vector<8xf32> to vector<1x8xf32>
    %broadcast_in_dim3A_7 = arith.constant 1.000000e+00 : f32
    %broadcast_in_dim3A_8 = vector.broadcast %broadcast_in_dim3A_7 : f32 to vector<8x1xf32>
    %dot_general3A = arith.constant dense<0.000000e+00> : vector<8x8xf32>
    %dot_general3A_9 = tpu.matmul %broadcast_in_dim3A_8, %broadcast_in_dim3A_6, %dot_general3A {dimension_numbers = #tpu.dot_dimension_numbers<[1], [0], [0], [1], [0, 0, 1, 1], [], []>, transpose_lhs_hint = false} : vector<8x1xf32>, vector<1x8xf32>, vector<8x8xf32> -> vector<8x8xf32>
    %iota3A_10 = tpu.iota {dimensions = array<i32: 0>} : vector<8x8xi32>
    %iota3A_11 = tpu.iota {dimensions = array<i32: 1>} : vector<8x8xi32>
    %eq3A_12 = arith.cmpi eq, %iota3A_10, %iota3A_11 : vector<8x8xi32>
    %convert_element_type3A = arith.extui %eq3A_12 : vector<8x8xi1> to vector<8x8xi32>
    %convert_element_type3A_13 = arith.sitofp %convert_element_type3A : vector<8x8xi32> to vector<8x8xf32>
    %mul3A = arith.mulf %dot_general3A_9, %convert_element_type3A_13 : vector<8x8xf32>
    %reduce_sum3A_14 = arith.constant dense<0.000000e+00> : vector<8xf32>
    %reduce_sum3A_15 = vector.multi_reduction <add>, %mul3A, %reduce_sum3A_14 [1] : vector<8x8xf32> to vector<8xf32>
    %broadcast_in_dim3A_16 = vector.shape_cast %reduce_sum3A_15 : vector<8xf32> to vector<8x1xf32>
    %add3A = arith.constant 2.550000e+02 : f32
    %add3A_17 = vector.broadcast %add3A : f32 to vector<8x1xf32>
    %add3A_18 = arith.addf %broadcast_in_dim3A_16, %add3A_17 : vector<8x1xf32>
    %div3A = arith.constant 2.560000e+02 : f32
    %div3A_19 = vector.broadcast %div3A : f32 to vector<8x1xf32>
    %div3A_20 = arith.divf %add3A_18, %div3A_19 : vector<8x1xf32>
    %floor3A = math.floor %div3A_20 : vector<8x1xf32>
    %iota3A_21 = tpu.iota {dimensions = array<i32: 0>} : vector<8x8xi32>
    %iota3A_22 = tpu.iota {dimensions = array<i32: 1>} : vector<8x8xi32>
    %ge3A = arith.cmpi sge, %iota3A_21, %iota3A_22 : vector<8x8xi32>
    %convert_element_type3A_23 = arith.extui %ge3A : vector<8x8xi1> to vector<8x8xi32>
    %convert_element_type3A_24 = arith.sitofp %convert_element_type3A_23 : vector<8x8xi32> to vector<8x8xf32>
    %dot_general3A_25 = arith.constant dense<0.000000e+00> : vector<8x1xf32>
    %dot_general3A_26 = tpu.matmul %convert_element_type3A_24, %floor3A, %dot_general3A_25 {dimension_numbers = #tpu.dot_dimension_numbers<[1], [0], [0], [1], [0, 0, 1, 1], [], []>, transpose_lhs_hint = false} : vector<8x8xf32>, vector<8x1xf32>, vector<8x1xf32> -> vector<8x1xf32>
    %sub3A = arith.subf %dot_general3A_26, %floor3A : vector<8x1xf32>
    %eq3A_27 = arith.constant 7 : i32
    %eq3A_28 = vector.broadcast %eq3A_27 : i32 to vector<8x1xi32>
    %eq3A_29 = arith.cmpi eq, %iota3A, %eq3A_28 : vector<8x1xi32>
    %jit3A_30 = arith.constant 0.000000e+00 : f32
    %broadcast_in_dim3A_31 = vector.broadcast %jit3A_30 : f32 to vector<8x1xf32>
    %select_n3A_32 = arith.select %eq3A_29, %dot_general3A_26, %broadcast_in_dim3A_31 : vector<8x1xi1>, vector<8x1xf32>
    %reduce_sum3A_33 = vector.shape_cast %select_n3A_32 : vector<8x1xf32> to vector<1x8x1xf32>
    %reduce_sum3A_34 = arith.constant dense<0.000000e+00> : vector<1xf32>
    %reduce_sum3A_35 = vector.multi_reduction <add>, %reduce_sum3A_33, %reduce_sum3A_34 [1, 2] : vector<1x8x1xf32> to vector<1xf32>
    %reduce_sum3A_36 = vector.shape_cast %reduce_sum3A_35 : vector<1xf32> to vector<1x1x1xf32>
    %reduce_sum3A_37 = vector.extract %reduce_sum3A_36[0, 0, 0] : f32 from vector<1x1x1xf32>
    %iota3A_38 = tpu.iota {dimensions = array<i32: 1>} : vector<1x64xi32>
    %jit3A_39 = arith.constant 8 : i32
    %div3A_40 = vector.broadcast %jit3A_39 : i32 to vector<1x64xi32>
    %div3A_41 = arith.divsi %iota3A_38, %div3A_40 : vector<1x64xi32>
    %sign3A = arith.constant 0 : i32
    %sign3A_42 = vector.broadcast %sign3A : i32 to vector<1x64xi32>
    %sign3A_43 = arith.cmpi sgt, %iota3A_38, %sign3A_42 : vector<1x64xi32>
    %sign3A_44 = arith.extui %sign3A_43 : vector<1x64xi1> to vector<1x64xi32>
    %sign3A_45 = arith.constant 0 : i32
    %sign3A_46 = vector.broadcast %sign3A_45 : i32 to vector<1x64xi32>
    %sign3A_47 = arith.cmpi slt, %iota3A_38, %sign3A_46 : vector<1x64xi32>
    %sign3A_48 = arith.extui %sign3A_47 : vector<1x64xi1> to vector<1x64xi32>
    %sign3A_49 = arith.subi %sign3A_44, %sign3A_48 : vector<1x64xi32>
    %sign3A_50 = arith.constant 0 : i32
    %sign3A_51 = arith.cmpi sgt, %jit3A_39, %sign3A_50 : i32
    %sign3A_52 = arith.extui %sign3A_51 : i1 to i32
    %sign3A_53 = arith.constant 0 : i32
    %sign3A_54 = arith.cmpi slt, %jit3A_39, %sign3A_53 : i32
    %sign3A_55 = arith.extui %sign3A_54 : i1 to i32
    %sign3A_56 = arith.subi %sign3A_52, %sign3A_55 : i32
    %ne3A = vector.broadcast %sign3A_56 : i32 to vector<1x64xi32>
    %ne3A_57 = arith.cmpi ne, %sign3A_49, %ne3A : vector<1x64xi32>
    %rem3A = vector.broadcast %jit3A_39 : i32 to vector<1x64xi32>
    %rem3A_58 = arith.remsi %iota3A_38, %rem3A : vector<1x64xi32>
    %ne3A_59 = arith.constant 0 : i32
    %ne3A_60 = vector.broadcast %ne3A_59 : i32 to vector<1x64xi32>
    %ne3A_61 = arith.cmpi ne, %rem3A_58, %ne3A_60 : vector<1x64xi32>
    %and3A = arith.andi %ne3A_57, %ne3A_61 : vector<1x64xi1>
    %sub3A_62 = arith.constant 1 : i32
    %sub3A_63 = vector.broadcast %sub3A_62 : i32 to vector<1x64xi32>
    %sub3A_64 = arith.subi %div3A_41, %sub3A_63 : vector<1x64xi32>
    %select_n3A_65 = arith.select %and3A, %sub3A_64, %div3A_41 : vector<1x64xi1>, vector<1x64xi32>
    %mul3A_66 = arith.constant 8 : i32
    %mul3A_67 = vector.broadcast %mul3A_66 : i32 to vector<1x64xi32>
    %mul3A_68 = arith.muli %select_n3A_65, %mul3A_67 : vector<1x64xi32>
    %sub3A_69 = arith.subi %iota3A_38, %mul3A_68 : vector<1x64xi32>
    %convert_element_type3A_70 = arith.sitofp %sub3A_69 : vector<1x64xi32> to vector<1x64xf32>
    %iota3A_71 = tpu.iota {dimensions = array<i32: 0>} : vector<8x64xi32>
    %eq3A_72 = vector.broadcast %select_n3A_65 : vector<1x64xi32> to vector<8x64xi32>
    %eq3A_73 = arith.cmpi eq, %iota3A_71, %eq3A_72 : vector<8x64xi32>
    %convert_element_type3A_74 = arith.extui %eq3A_73 : vector<8x64xi1> to vector<8x64xi32>
    %convert_element_type3A_75 = arith.sitofp %convert_element_type3A_74 : vector<8x64xi32> to vector<8x64xf32>
    %mul3A_76 = vector.broadcast %floor3A : vector<8x1xf32> to vector<8x64xf32>
    %mul3A_77 = arith.mulf %convert_element_type3A_75, %mul3A_76 : vector<8x64xf32>
    %reduce_sum3A_78 = arith.constant dense<0.000000e+00> : vector<64xf32>
    %reduce_sum3A_79 = vector.multi_reduction <add>, %mul3A_77, %reduce_sum3A_78 [0] : vector<8x64xf32> to vector<64xf32>
    %broadcast_in_dim3A_80 = vector.shape_cast %reduce_sum3A_79 : vector<64xf32> to vector<1x64xf32>
    %mul3A_81 = vector.broadcast %sub3A : vector<8x1xf32> to vector<8x64xf32>
    %mul3A_82 = arith.mulf %convert_element_type3A_75, %mul3A_81 : vector<8x64xf32>
    %reduce_sum3A_83 = arith.constant dense<0.000000e+00> : vector<64xf32>
    %reduce_sum3A_84 = vector.multi_reduction <add>, %mul3A_82, %reduce_sum3A_83 [0] : vector<8x64xf32> to vector<64xf32>
    %broadcast_in_dim3A_85 = vector.shape_cast %reduce_sum3A_84 : vector<64xf32> to vector<1x64xf32>
    %lt3A = arith.cmpf olt, %convert_element_type3A_70, %broadcast_in_dim3A_80 : vector<1x64xf32>
    %add3A_86 = arith.addf %broadcast_in_dim3A_85, %convert_element_type3A_70 : vector<1x64xf32>
    %add3A_87 = arith.addf %broadcast_in_dim3A_85, %broadcast_in_dim3A_80 : vector<1x64xf32>
    %sub3A_88 = arith.constant 1.000000e+00 : f32
    %sub3A_89 = vector.broadcast %sub3A_88 : f32 to vector<1x64xf32>
    %sub3A_90 = arith.subf %add3A_87, %sub3A_89 : vector<1x64xf32>
    %select_n3A_91 = arith.select %lt3A, %add3A_86, %sub3A_90 : vector<1x64xi1>, vector<1x64xf32>
    %sub3A_92 = arith.constant 1.000000e+00 : f32
    %sub3A_93 = arith.subf %reduce_sum3A_37, %sub3A_92 : f32
    %max3A = arith.constant 0.000000e+00 : f32
    %max3A_94 = arith.maximumf %sub3A_93, %max3A : f32
    %jit3A_95 = arith.constant 0.000000e+00 : f32
    %max3A_96 = vector.broadcast %jit3A_95 : f32 to vector<1x64xf32>
    %max3A_97 = arith.maximumf %max3A_96, %select_n3A_91 : vector<1x64xf32>
    %min3A = vector.broadcast %max3A_94 : f32 to vector<1x64xf32>
    %min3A_98 = arith.minimumf %min3A, %max3A_97 : vector<1x64xf32>
    %convert_element_type3A_99 = arith.fptosi %min3A_98 : vector<1x64xf32> to vector<1x64xi32>
    %swap3A = arith.constant 0 : index
    %swap3A_100 = arith.constant 0 : index
    %swap3A_101 = vector.load %arg4[%swap3A, %swap3A_100] : memref<1x64xi32, #tpu.memory_space<vmem>>, vector<1x64xi32>
    tpu.vector_store %arg4[%swap3A, %swap3A_100], %convert_element_type3A_99 {strides = array<i32>} : memref<1x64xi32, #tpu.memory_space<vmem>>, vector<1x64xi32>,
    %convert_element_type3A_102 = arith.extui %lt3A : vector<1x64xi1> to vector<1x64xi32>
    %swap3A_103 = arith.constant 0 : index
    %swap3A_104 = arith.constant 0 : index
    %swap3A_105 = vector.load %arg5[%swap3A_103, %swap3A_104] : memref<1x64xi32, #tpu.memory_space<vmem>>, vector<1x64xi32>
    tpu.vector_store %arg5[%swap3A_103, %swap3A_104], %convert_element_type3A_102 {strides = array<i32>} : memref<1x64xi32, #tpu.memory_space<vmem>>, vector<1x64xi32>,
    %get3A_106 = arith.constant 0 : index
    %get3A_107 = arith.constant 0 : index
    %get3A_108 = vector.load %arg2[%get3A_106, %get3A_107] : memref<2x2048xi32, #tpu.memory_space<vmem>>, vector<2x2048xi32>
    %jit3A_109 = arith.constant 2048 : i32
    %div3A_110 = vector.broadcast %jit3A_109 : i32 to vector<2x2048xi32>
    %div3A_111 = arith.divsi %get3A_108, %div3A_110 : vector<2x2048xi32>
    %sign3A_112 = arith.constant 0 : i32
    %sign3A_113 = vector.broadcast %sign3A_112 : i32 to vector<2x2048xi32>
    %sign3A_114 = arith.cmpi sgt, %get3A_108, %sign3A_113 : vector<2x2048xi32>
    %sign3A_115 = arith.extui %sign3A_114 : vector<2x2048xi1> to vector<2x2048xi32>
    %sign3A_116 = arith.constant 0 : i32
    %sign3A_117 = vector.broadcast %sign3A_116 : i32 to vector<2x2048xi32>
    %sign3A_118 = arith.cmpi slt, %get3A_108, %sign3A_117 : vector<2x2048xi32>
    %sign3A_119 = arith.extui %sign3A_118 : vector<2x2048xi1> to vector<2x2048xi32>
    %sign3A_120 = arith.subi %sign3A_115, %sign3A_119 : vector<2x2048xi32>
    %sign3A_121 = arith.constant 0 : i32
    %sign3A_122 = arith.cmpi sgt, %jit3A_109, %sign3A_121 : i32
    %sign3A_123 = arith.extui %sign3A_122 : i1 to i32
    %sign3A_124 = arith.constant 0 : i32
    %sign3A_125 = arith.cmpi slt, %jit3A_109, %sign3A_124 : i32
    %sign3A_126 = arith.extui %sign3A_125 : i1 to i32
    %sign3A_127 = arith.subi %sign3A_123, %sign3A_126 : i32
    %ne3A_128 = vector.broadcast %sign3A_127 : i32 to vector<2x2048xi32>
    %ne3A_129 = arith.cmpi ne, %sign3A_120, %ne3A_128 : vector<2x2048xi32>
    %rem3A_130 = vector.broadcast %jit3A_109 : i32 to vector<2x2048xi32>
    %rem3A_131 = arith.remsi %get3A_108, %rem3A_130 : vector<2x2048xi32>
    %ne3A_132 = arith.constant 0 : i32
    %ne3A_133 = vector.broadcast %ne3A_132 : i32 to vector<2x2048xi32>
    %ne3A_134 = arith.cmpi ne, %rem3A_131, %ne3A_133 : vector<2x2048xi32>
    %and3A_135 = arith.andi %ne3A_129, %ne3A_134 : vector<2x2048xi1>
    %sub3A_136 = arith.constant 1 : i32
    %sub3A_137 = vector.broadcast %sub3A_136 : i32 to vector<2x2048xi32>
    %sub3A_138 = arith.subi %div3A_111, %sub3A_137 : vector<2x2048xi32>
    %select_n3A_139 = arith.select %and3A_135, %sub3A_138, %div3A_111 : vector<2x2048xi1>, vector<2x2048xi32>
    %broadcast_in_dim3A_140 = arith.constant 0 : i32
    %broadcast_in_dim3A_141 = vector.broadcast %broadcast_in_dim3A_140 : i32 to vector<2x2048xi32>
    %eq3A_142 = arith.constant 0 : i32
    %eq3A_143 = vector.broadcast %eq3A_142 : i32 to vector<8x1xi32>
    %eq3A_144 = arith.cmpi eq, %iota3A, %eq3A_143 : vector<8x1xi32>
    %sub3A_145 = arith.constant 0.000000e+00 : f32
    %sub3A_146 = vector.broadcast %sub3A_145 : f32 to vector<8x1xf32>
    %sub3A_147 = arith.subf %sub3A_146, %sub3A : vector<8x1xf32>
    %jit3A_148 = arith.constant 0.000000e+00 : f32
    %broadcast_in_dim3A_149 = vector.broadcast %jit3A_148 : f32 to vector<8x1xf32>
    %select_n3A_150 = arith.select %eq3A_144, %sub3A_147, %broadcast_in_dim3A_149 : vector<8x1xi1>, vector<8x1xf32>
    %reduce_sum3A_151 = vector.shape_cast %select_n3A_150 : vector<8x1xf32> to vector<1x8x1xf32>
    %reduce_sum3A_152 = arith.constant dense<0.000000e+00> : vector<1xf32>
    %reduce_sum3A_153 = vector.multi_reduction <add>, %reduce_sum3A_151, %reduce_sum3A_152 [1, 2] : vector<1x8x1xf32> to vector<1xf32>
    %reduce_sum3A_154 = vector.shape_cast %reduce_sum3A_153 : vector<1xf32> to vector<1x1x1xf32>
    %reduce_sum3A_155 = vector.extract %reduce_sum3A_154[0, 0, 0] : f32 from vector<1x1x1xf32>
    %eq3A_156 = arith.constant 0 : i32
    %eq3A_157 = vector.broadcast %eq3A_156 : i32 to vector<2x2048xi32>
    %eq3A_158 = arith.cmpi eq, %select_n3A_139, %eq3A_157 : vector<2x2048xi32>
    %mul3A_159 = arith.constant 2.560000e+02 : f32
    %mul3A_160 = arith.mulf %reduce_sum3A_155, %mul3A_159 : f32
    %convert_element_type3A_161 = arith.fptosi %mul3A_160 : f32 to i32
    %broadcast_in_dim3A_162 = vector.broadcast %convert_element_type3A_161 : i32 to vector<2x2048xi32>
    %select_n3A_163 = arith.select %eq3A_158, %broadcast_in_dim3A_162, %broadcast_in_dim3A_141 : vector<2x2048xi1>, vector<2x2048xi32>
    %eq3A_164 = arith.constant 1 : i32
    %eq3A_165 = vector.broadcast %eq3A_164 : i32 to vector<8x1xi32>
    %eq3A_166 = arith.cmpi eq, %iota3A, %eq3A_165 : vector<8x1xi32>
    %sub3A_167 = arith.constant 8.000000e+00 : f32
    %sub3A_168 = vector.broadcast %sub3A_167 : f32 to vector<8x1xf32>
    %sub3A_169 = arith.subf %sub3A_168, %sub3A : vector<8x1xf32>
    %jit3A_170 = arith.constant 0.000000e+00 : f32
    %broadcast_in_dim3A_171 = vector.broadcast %jit3A_170 : f32 to vector<8x1xf32>
    %select_n3A_172 = arith.select %eq3A_166, %sub3A_169, %broadcast_in_dim3A_171 : vector<8x1xi1>, vector<8x1xf32>
    %reduce_sum3A_173 = vector.shape_cast %select_n3A_172 : vector<8x1xf32> to vector<1x8x1xf32>
    %reduce_sum3A_174 = arith.constant dense<0.000000e+00> : vector<1xf32>
    %reduce_sum3A_175 = vector.multi_reduction <add>, %reduce_sum3A_173, %reduce_sum3A_174 [1, 2] : vector<1x8x1xf32> to vector<1xf32>
    %reduce_sum3A_176 = vector.shape_cast %reduce_sum3A_175 : vector<1xf32> to vector<1x1x1xf32>
    %reduce_sum3A_177 = vector.extract %reduce_sum3A_176[0, 0, 0] : f32 from vector<1x1x1xf32>
    %eq3A_178 = arith.constant 1 : i32
    %eq3A_179 = vector.broadcast %eq3A_178 : i32 to vector<2x2048xi32>
    %eq3A_180 = arith.cmpi eq, %select_n3A_139, %eq3A_179 : vector<2x2048xi32>
    %mul3A_181 = arith.constant 2.560000e+02 : f32
    %mul3A_182 = arith.mulf %reduce_sum3A_177, %mul3A_181 : f32
    %convert_element_type3A_183 = arith.fptosi %mul3A_182 : f32 to i32
    %broadcast_in_dim3A_184 = vector.broadcast %convert_element_type3A_183 : i32 to vector<2x2048xi32>
    %select_n3A_185 = arith.select %eq3A_180, %broadcast_in_dim3A_184, %select_n3A_163 : vector<2x2048xi1>, vector<2x2048xi32>
    %eq3A_186 = arith.constant 2 : i32
    %eq3A_187 = vector.broadcast %eq3A_186 : i32 to vector<8x1xi32>
    %eq3A_188 = arith.cmpi eq, %iota3A, %eq3A_187 : vector<8x1xi32>
    %sub3A_189 = arith.constant 1.600000e+01 : f32
    %sub3A_190 = vector.broadcast %sub3A_189 : f32 to vector<8x1xf32>
    %sub3A_191 = arith.subf %sub3A_190, %sub3A : vector<8x1xf32>
    %jit3A_192 = arith.constant 0.000000e+00 : f32
    %broadcast_in_dim3A_193 = vector.broadcast %jit3A_192 : f32 to vector<8x1xf32>
    %select_n3A_194 = arith.select %eq3A_188, %sub3A_191, %broadcast_in_dim3A_193 : vector<8x1xi1>, vector<8x1xf32>
    %reduce_sum3A_195 = vector.shape_cast %select_n3A_194 : vector<8x1xf32> to vector<1x8x1xf32>
    %reduce_sum3A_196 = arith.constant dense<0.000000e+00> : vector<1xf32>
    %reduce_sum3A_197 = vector.multi_reduction <add>, %reduce_sum3A_195, %reduce_sum3A_196 [1, 2] : vector<1x8x1xf32> to vector<1xf32>
    %reduce_sum3A_198 = vector.shape_cast %reduce_sum3A_197 : vector<1xf32> to vector<1x1x1xf32>
    %reduce_sum3A_199 = vector.extract %reduce_sum3A_198[0, 0, 0] : f32 from vector<1x1x1xf32>
    %eq3A_200 = arith.constant 2 : i32
    %eq3A_201 = vector.broadcast %eq3A_200 : i32 to vector<2x2048xi32>
    %eq3A_202 = arith.cmpi eq, %select_n3A_139, %eq3A_201 : vector<2x2048xi32>
    %mul3A_203 = arith.constant 2.560000e+02 : f32
    %mul3A_204 = arith.mulf %reduce_sum3A_199, %mul3A_203 : f32
    %convert_element_type3A_205 = arith.fptosi %mul3A_204 : f32 to i32
    %broadcast_in_dim3A_206 = vector.broadcast %convert_element_type3A_205 : i32 to vector<2x2048xi32>
    %select_n3A_207 = arith.select %eq3A_202, %broadcast_in_dim3A_206, %select_n3A_185 : vector<2x2048xi1>, vector<2x2048xi32>
    %eq3A_208 = arith.constant 3 : i32
    %eq3A_209 = vector.broadcast %eq3A_208 : i32 to vector<8x1xi32>
    %eq3A_210 = arith.cmpi eq, %iota3A, %eq3A_209 : vector<8x1xi32>
    %sub3A_211 = arith.constant 2.400000e+01 : f32
    %sub3A_212 = vector.broadcast %sub3A_211 : f32 to vector<8x1xf32>
    %sub3A_213 = arith.subf %sub3A_212, %sub3A : vector<8x1xf32>
    %jit3A_214 = arith.constant 0.000000e+00 : f32
    %broadcast_in_dim3A_215 = vector.broadcast %jit3A_214 : f32 to vector<8x1xf32>
    %select_n3A_216 = arith.select %eq3A_210, %sub3A_213, %broadcast_in_dim3A_215 : vector<8x1xi1>, vector<8x1xf32>
    %reduce_sum3A_217 = vector.shape_cast %select_n3A_216 : vector<8x1xf32> to vector<1x8x1xf32>
    %reduce_sum3A_218 = arith.constant dense<0.000000e+00> : vector<1xf32>
    %reduce_sum3A_219 = vector.multi_reduction <add>, %reduce_sum3A_217, %reduce_sum3A_218 [1, 2] : vector<1x8x1xf32> to vector<1xf32>
    %reduce_sum3A_220 = vector.shape_cast %reduce_sum3A_219 : vector<1xf32> to vector<1x1x1xf32>
    %reduce_sum3A_221 = vector.extract %reduce_sum3A_220[0, 0, 0] : f32 from vector<1x1x1xf32>
    %eq3A_222 = arith.constant 3 : i32
    %eq3A_223 = vector.broadcast %eq3A_222 : i32 to vector<2x2048xi32>
    %eq3A_224 = arith.cmpi eq, %select_n3A_139, %eq3A_223 : vector<2x2048xi32>
    %mul3A_225 = arith.constant 2.560000e+02 : f32
    %mul3A_226 = arith.mulf %reduce_sum3A_221, %mul3A_225 : f32
    %convert_element_type3A_227 = arith.fptosi %mul3A_226 : f32 to i32
    %broadcast_in_dim3A_228 = vector.broadcast %convert_element_type3A_227 : i32 to vector<2x2048xi32>
    %select_n3A_229 = arith.select %eq3A_224, %broadcast_in_dim3A_228, %select_n3A_207 : vector<2x2048xi1>, vector<2x2048xi32>
    %eq3A_230 = arith.constant 4 : i32
    %eq3A_231 = vector.broadcast %eq3A_230 : i32 to vector<8x1xi32>
    %eq3A_232 = arith.cmpi eq, %iota3A, %eq3A_231 : vector<8x1xi32>
    %sub3A_233 = arith.constant 3.200000e+01 : f32
    %sub3A_234 = vector.broadcast %sub3A_233 : f32 to vector<8x1xf32>
    %sub3A_235 = arith.subf %sub3A_234, %sub3A : vector<8x1xf32>
    %jit3A_236 = arith.constant 0.000000e+00 : f32
    %broadcast_in_dim3A_237 = vector.broadcast %jit3A_236 : f32 to vector<8x1xf32>
    %select_n3A_238 = arith.select %eq3A_232, %sub3A_235, %broadcast_in_dim3A_237 : vector<8x1xi1>, vector<8x1xf32>
    %reduce_sum3A_239 = vector.shape_cast %select_n3A_238 : vector<8x1xf32> to vector<1x8x1xf32>
    %reduce_sum3A_240 = arith.constant dense<0.000000e+00> : vector<1xf32>
    %reduce_sum3A_241 = vector.multi_reduction <add>, %reduce_sum3A_239, %reduce_sum3A_240 [1, 2] : vector<1x8x1xf32> to vector<1xf32>
    %reduce_sum3A_242 = vector.shape_cast %reduce_sum3A_241 : vector<1xf32> to vector<1x1x1xf32>
    %reduce_sum3A_243 = vector.extract %reduce_sum3A_242[0, 0, 0] : f32 from vector<1x1x1xf32>
    %eq3A_244 = arith.constant 4 : i32
    %eq3A_245 = vector.broadcast %eq3A_244 : i32 to vector<2x2048xi32>
    %eq3A_246 = arith.cmpi eq, %select_n3A_139, %eq3A_245 : vector<2x2048xi32>
    %mul3A_247 = arith.constant 2.560000e+02 : f32
    %mul3A_248 = arith.mulf %reduce_sum3A_243, %mul3A_247 : f32
    %convert_element_type3A_249 = arith.fptosi %mul3A_248 : f32 to i32
    %broadcast_in_dim3A_250 = vector.broadcast %convert_element_type3A_249 : i32 to vector<2x2048xi32>
    %select_n3A_251 = arith.select %eq3A_246, %broadcast_in_dim3A_250, %select_n3A_229 : vector<2x2048xi1>, vector<2x2048xi32>
    %eq3A_252 = arith.constant 5 : i32
    %eq3A_253 = vector.broadcast %eq3A_252 : i32 to vector<8x1xi32>
    %eq3A_254 = arith.cmpi eq, %iota3A, %eq3A_253 : vector<8x1xi32>
    %sub3A_255 = arith.constant 4.000000e+01 : f32
    %sub3A_256 = vector.broadcast %sub3A_255 : f32 to vector<8x1xf32>
    %sub3A_257 = arith.subf %sub3A_256, %sub3A : vector<8x1xf32>
    %jit3A_258 = arith.constant 0.000000e+00 : f32
    %broadcast_in_dim3A_259 = vector.broadcast %jit3A_258 : f32 to vector<8x1xf32>
    %select_n3A_260 = arith.select %eq3A_254, %sub3A_257, %broadcast_in_dim3A_259 : vector<8x1xi1>, vector<8x1xf32>
    %reduce_sum3A_261 = vector.shape_cast %select_n3A_260 : vector<8x1xf32> to vector<1x8x1xf32>
    %reduce_sum3A_262 = arith.constant dense<0.000000e+00> : vector<1xf32>
    %reduce_sum3A_263 = vector.multi_reduction <add>, %reduce_sum3A_261, %reduce_sum3A_262 [1, 2] : vector<1x8x1xf32> to vector<1xf32>
    %reduce_sum3A_264 = vector.shape_cast %reduce_sum3A_263 : vector<1xf32> to vector<1x1x1xf32>
    %reduce_sum3A_265 = vector.extract %reduce_sum3A_264[0, 0, 0] : f32 from vector<1x1x1xf32>
    %eq3A_266 = arith.constant 5 : i32
    %eq3A_267 = vector.broadcast %eq3A_266 : i32 to vector<2x2048xi32>
    %eq3A_268 = arith.cmpi eq, %select_n3A_139, %eq3A_267 : vector<2x2048xi32>
    %mul3A_269 = arith.constant 2.560000e+02 : f32
    %mul3A_270 = arith.mulf %reduce_sum3A_265, %mul3A_269 : f32
    %convert_element_type3A_271 = arith.fptosi %mul3A_270 : f32 to i32
    %broadcast_in_dim3A_272 = vector.broadcast %convert_element_type3A_271 : i32 to vector<2x2048xi32>
    %select_n3A_273 = arith.select %eq3A_268, %broadcast_in_dim3A_272, %select_n3A_251 : vector<2x2048xi1>, vector<2x2048xi32>
    %eq3A_274 = arith.constant 6 : i32
    %eq3A_275 = vector.broadcast %eq3A_274 : i32 to vector<8x1xi32>
    %eq3A_276 = arith.cmpi eq, %iota3A, %eq3A_275 : vector<8x1xi32>
    %sub3A_277 = arith.constant 4.800000e+01 : f32
    %sub3A_278 = vector.broadcast %sub3A_277 : f32 to vector<8x1xf32>
    %sub3A_279 = arith.subf %sub3A_278, %sub3A : vector<8x1xf32>
    %jit3A_280 = arith.constant 0.000000e+00 : f32
    %broadcast_in_dim3A_281 = vector.broadcast %jit3A_280 : f32 to vector<8x1xf32>
    %select_n3A_282 = arith.select %eq3A_276, %sub3A_279, %broadcast_in_dim3A_281 : vector<8x1xi1>, vector<8x1xf32>
    %reduce_sum3A_283 = vector.shape_cast %select_n3A_282 : vector<8x1xf32> to vector<1x8x1xf32>
    %reduce_sum3A_284 = arith.constant dense<0.000000e+00> : vector<1xf32>
    %reduce_sum3A_285 = vector.multi_reduction <add>, %reduce_sum3A_283, %reduce_sum3A_284 [1, 2] : vector<1x8x1xf32> to vector<1xf32>
    %reduce_sum3A_286 = vector.shape_cast %reduce_sum3A_285 : vector<1xf32> to vector<1x1x1xf32>
    %reduce_sum3A_287 = vector.extract %reduce_sum3A_286[0, 0, 0] : f32 from vector<1x1x1xf32>
    %eq3A_288 = arith.constant 6 : i32
    %eq3A_289 = vector.broadcast %eq3A_288 : i32 to vector<2x2048xi32>
    %eq3A_290 = arith.cmpi eq, %select_n3A_139, %eq3A_289 : vector<2x2048xi32>
    %mul3A_291 = arith.constant 2.560000e+02 : f32
    %mul3A_292 = arith.mulf %reduce_sum3A_287, %mul3A_291 : f32
    %convert_element_type3A_293 = arith.fptosi %mul3A_292 : f32 to i32
    %broadcast_in_dim3A_294 = vector.broadcast %convert_element_type3A_293 : i32 to vector<2x2048xi32>
    %select_n3A_295 = arith.select %eq3A_290, %broadcast_in_dim3A_294, %select_n3A_273 : vector<2x2048xi1>, vector<2x2048xi32>
    %eq3A_296 = arith.constant 7 : i32
    %eq3A_297 = vector.broadcast %eq3A_296 : i32 to vector<8x1xi32>
    %eq3A_298 = arith.cmpi eq, %iota3A, %eq3A_297 : vector<8x1xi32>
    %sub3A_299 = arith.constant 5.600000e+01 : f32
    %sub3A_300 = vector.broadcast %sub3A_299 : f32 to vector<8x1xf32>
    %sub3A_301 = arith.subf %sub3A_300, %sub3A : vector<8x1xf32>
    %jit3A_302 = arith.constant 0.000000e+00 : f32
    %broadcast_in_dim3A_303 = vector.broadcast %jit3A_302 : f32 to vector<8x1xf32>
    %select_n3A_304 = arith.select %eq3A_298, %sub3A_301, %broadcast_in_dim3A_303 : vector<8x1xi1>, vector<8x1xf32>
    %reduce_sum3A_305 = vector.shape_cast %select_n3A_304 : vector<8x1xf32> to vector<1x8x1xf32>
    %reduce_sum3A_306 = arith.constant dense<0.000000e+00> : vector<1xf32>
    %reduce_sum3A_307 = vector.multi_reduction <add>, %reduce_sum3A_305, %reduce_sum3A_306 [1, 2] : vector<1x8x1xf32> to vector<1xf32>
    %reduce_sum3A_308 = vector.shape_cast %reduce_sum3A_307 : vector<1xf32> to vector<1x1x1xf32>
    %reduce_sum3A_309 = vector.extract %reduce_sum3A_308[0, 0, 0] : f32 from vector<1x1x1xf32>
    %eq3A_310 = arith.constant 7 : i32
    %eq3A_311 = vector.broadcast %eq3A_310 : i32 to vector<2x2048xi32>
    %eq3A_312 = arith.cmpi eq, %select_n3A_139, %eq3A_311 : vector<2x2048xi32>
    %mul3A_313 = arith.constant 2.560000e+02 : f32
    %mul3A_314 = arith.mulf %reduce_sum3A_309, %mul3A_313 : f32
    %convert_element_type3A_315 = arith.fptosi %mul3A_314 : f32 to i32
    %broadcast_in_dim3A_316 = vector.broadcast %convert_element_type3A_315 : i32 to vector<2x2048xi32>
    %select_n3A_317 = arith.select %eq3A_312, %broadcast_in_dim3A_316, %select_n3A_295 : vector<2x2048xi1>, vector<2x2048xi32>
    %sub3A_318 = arith.subi %get3A_108, %select_n3A_317 : vector<2x2048xi32>
    %swap3A_319 = arith.constant 0 : index
    %swap3A_320 = arith.constant 0 : index
    %swap3A_321 = vector.load %arg3[%swap3A_319, %swap3A_320] : memref<2x2048xi32, #tpu.memory_space<vmem>>, vector<2x2048xi32>
    tpu.vector_store %arg3[%swap3A_319, %swap3A_320], %sub3A_318 {strides = array<i32>} : memref<2x2048xi32, #tpu.memory_space<vmem>>, vector<2x2048xi32>,
    %iota3A_322 = tpu.iota {dimensions = array<i32: 0>} : vector<8x8xi32>
    %eq3A_323 = arith.constant 0 : i32
    %eq3A_324 = vector.broadcast %eq3A_323 : i32 to vector<8x8xi32>
    %eq3A_325 = arith.cmpi eq, %iota3A_322, %eq3A_324 : vector<8x8xi32>
    %jit3A_326 = arith.constant 0.000000e+00 : f32
    %broadcast_in_dim3A_327 = vector.broadcast %jit3A_326 : f32 to vector<8x8xf32>
    %select_n3A_328 = arith.select %eq3A_325, %get3A_1, %broadcast_in_dim3A_327 : vector<8x8xi1>, vector<8x8xf32>
    %reduce_sum3A_329 = arith.constant dense<0.000000e+00> : vector<8xf32>
    %reduce_sum3A_330 = vector.multi_reduction <add>, %select_n3A_328, %reduce_sum3A_329 [0] : vector<8x8xf32> to vector<8xf32>
    %eq3A_331 = arith.constant 1 : i32
    %eq3A_332 = vector.broadcast %eq3A_331 : i32 to vector<8x8xi32>
    %eq3A_333 = arith.cmpi eq, %iota3A_322, %eq3A_332 : vector<8x8xi32>
    %jit3A_334 = arith.constant 0.000000e+00 : f32
    %broadcast_in_dim3A_335 = vector.broadcast %jit3A_334 : f32 to vector<8x8xf32>
    %select_n3A_336 = arith.select %eq3A_333, %get3A_1, %broadcast_in_dim3A_335 : vector<8x8xi1>, vector<8x8xf32>
    %reduce_sum3A_337 = arith.constant dense<0.000000e+00> : vector<8xf32>
    %reduce_sum3A_338 = vector.multi_reduction <add>, %select_n3A_336, %reduce_sum3A_337 [0] : vector<8x8xf32> to vector<8xf32>
    %iota3A_339 = tpu.iota {dimensions = array<i32: 1>} : vector<8x8xi32>
    %eq3A_340 = arith.constant 2 : i32
    %eq3A_341 = vector.broadcast %eq3A_340 : i32 to vector<8x8xi32>
    %eq3A_342 = arith.cmpi eq, %iota3A_322, %eq3A_341 : vector<8x8xi32>
    %eq3A_343 = arith.constant 0 : i32
    %eq3A_344 = vector.broadcast %eq3A_343 : i32 to vector<8x8xi32>
    %eq3A_345 = arith.cmpi eq, %iota3A_339, %eq3A_344 : vector<8x8xi32>
    %and3A_346 = arith.andi %eq3A_342, %eq3A_345 : vector<8x8xi1>
    %jit3A_347 = arith.constant 0.000000e+00 : f32
    %broadcast_in_dim3A_348 = vector.broadcast %jit3A_347 : f32 to vector<8x8xf32>
    %select_n3A_349 = arith.select %and3A_346, %get3A_1, %broadcast_in_dim3A_348 : vector<8x8xi1>, vector<8x8xf32>
    %reduce_sum3A_350 = vector.shape_cast %select_n3A_349 : vector<8x8xf32> to vector<1x8x8xf32>
    %reduce_sum3A_351 = arith.constant dense<0.000000e+00> : vector<1xf32>
    %reduce_sum3A_352 = vector.multi_reduction <add>, %reduce_sum3A_350, %reduce_sum3A_351 [1, 2] : vector<1x8x8xf32> to vector<1xf32>
    %reduce_sum3A_353 = vector.shape_cast %reduce_sum3A_352 : vector<1xf32> to vector<1x1x1xf32>
    %reduce_sum3A_354 = vector.extract %reduce_sum3A_353[0, 0, 0] : f32 from vector<1x1x1xf32>
    %mul3A_355 = arith.mulf %reduce_sum3A_330, %reduce_sum3A_338 : vector<8xf32>
    %reduce_sum3A_356 = vector.shape_cast %mul3A_355 : vector<8xf32> to vector<1x8xf32>
    %reduce_sum3A_357 = arith.constant dense<0.000000e+00> : vector<1xf32>
    %reduce_sum3A_358 = vector.multi_reduction <add>, %reduce_sum3A_356, %reduce_sum3A_357 [1] : vector<1x8xf32> to vector<1xf32>
    %reduce_sum3A_359 = vector.shape_cast %reduce_sum3A_358 : vector<1xf32> to vector<1x1xf32>
    %reduce_sum3A_360 = vector.extract %reduce_sum3A_359[0, 0] : f32 from vector<1x1xf32>
    %mul3A_361 = arith.constant 8.000000e+00 : f32
    %mul3A_362 = arith.mulf %mul3A_361, %reduce_sum3A_360 : f32
    %div3A_363 = arith.constant 0x4A800000 : f32
    %div3A_364 = arith.divf %mul3A_362, %div3A_363 : f32
    %mul3A_365 = arith.constant 1.000000e-03 : f32
    %mul3A_366 = arith.mulf %reduce_sum3A_354, %mul3A_365 : f32
    %div3A_367 = arith.constant 1.638400e+04 : f32
    %div3A_368 = arith.divf %mul3A_366, %div3A_367 : f32
    %add3A_369 = arith.addf %div3A_364, %div3A_368 : f32
    %broadcast_in_dim3A_370 = arith.constant 0.000000e+00 : f32
    %broadcast_in_dim3A_371 = vector.broadcast %broadcast_in_dim3A_370 : f32 to vector<1x1xf32>
    %add3A_372 = vector.broadcast %add3A_369 : f32 to vector<1x1xf32>
    %add3A_373 = arith.addf %broadcast_in_dim3A_371, %add3A_372 : vector<1x1xf32>
    %swap3A_374 = arith.constant 0 : index
    %swap3A_375 = arith.constant 0 : index
    %swap3A_376 = vector.load %arg6[%swap3A_374, %swap3A_375] : memref<1x1xf32, #tpu.memory_space<vmem>>, vector<1x1xf32>
    tpu.vector_store %arg6[%swap3A_374, %swap3A_375], %add3A_373 {strides = array<i32>} : memref<1x1xf32, #tpu.memory_space<vmem>>, vector<1x1xf32>,
    return
  }
  func.func @transform_0(%arg0: i32) -> (i32, i32) {
    %c0_i32 = arith.constant 0 : i32
    %c0_i32_0 = arith.constant 0 : i32
    %c0_i32_1 = arith.constant 0 : i32
    return %c0_i32, %c0_i32_0 : i32, i32
  }
  func.func @transform_1(%arg0: i32) -> (i32, i32) {
    %c0_i32 = arith.constant 0 : i32
    %c0_i32_0 = arith.constant 0 : i32
    %c0_i32_1 = arith.constant 0 : i32
    return %c0_i32, %c0_i32_0 : i32, i32
  }
  func.func @transform_2(%arg0: i32) -> (i32, i32) {
    %c0_i32 = arith.constant 0 : i32
    %c0_i32_0 = arith.constant 0 : i32
    %c0_i32_1 = arith.constant 0 : i32
    return %c0_i32, %c0_i32_0 : i32, i32
  }
  func.func @transform_3(%arg0: i32) -> (i32, i32) {
    %c0_i32 = arith.constant 0 : i32
    %c0_i32_0 = arith.constant 0 : i32
    %c0_i32_1 = arith.constant 0 : i32
    return %c0_i32, %c0_i32_0 : i32, i32
  }
  func.func @transform_4(%arg0: i32) -> (i32, i32) {
    %c0_i32 = arith.constant 0 : i32
    %c0_i32_0 = arith.constant 0 : i32
    %c0_i32_1 = arith.constant 0 : i32
    return %c0_i32, %c0_i32_0 : i32, i32
  }
  func.func @transform_5(%arg0: i32) -> (i32, i32) {
    %c0_i32 = arith.constant 0 : i32
    %c0_i32_0 = arith.constant 0 : i32
    %c0_i32_1 = arith.constant 0 : i32
    return %c0_i32, %c0_i32_0 : i32, i32
  }
}

module attributes {stable_mosaic.version = 14 : i64} {
  func.func @_ffn_body(%arg0: i32, %arg1: i32, %arg2: memref<64xi32, #tpu.memory_space<smem>>, %arg3: memref<64xi32, #tpu.memory_space<smem>>, %arg4: memref<256x768xf32, #tpu.memory_space<vmem>>, %arg5: memref<1x768x1536xf32, #tpu.memory_space<vmem>>, %arg6: memref<1x1536x768xf32, #tpu.memory_space<vmem>>, %arg7: memref<1x1x1536xf32, #tpu.memory_space<vmem>>, %arg8: memref<1x1x768xf32, #tpu.memory_space<vmem>>, %arg9: memref<256x768xf32, #tpu.memory_space<vmem>>) attributes {dimension_semantics = [#tpu.dimension_semantics<arbitrary>, #tpu.dimension_semantics<arbitrary>], iteration_bounds = array<i64: 8, 8>, scalar_prefetch = 2 : i64, scratch_operands = 0 : i64, tpu.core_type = #tpu.core_type<tc>, window_params = [{transform_indices = @transform_0, window_bounds = array<i64: 256, 768>}, {transform_indices = @transform_1, window_bounds = array<i64: 1, 768, 1536>}, {transform_indices = @transform_2, window_bounds = array<i64: 1, 1536, 768>}, {transform_indices = @transform_3, window_bounds = array<i64: 1, 1, 1536>}, {transform_indices = @transform_4, window_bounds = array<i64: 1, 1, 768>}, {transform_indices = @transform_5, window_bounds = array<i64: 256, 768>}]} {
    %mul3A = arith.constant 8 : i32
    %mul3A_0 = arith.muli %arg0, %mul3A : i32
    %add3A = arith.addi %mul3A_0, %arg1 : i32
    %get3A = arith.index_cast %add3A : i32 to index
    %get3A_1 = memref.load %arg3[%get3A] : memref<64xi32, #tpu.memory_space<smem>>
    %ne3A = arith.constant 0 : i32
    %ne3A_2 = arith.cmpi ne, %get3A_1, %ne3A : i32
    %convert_element_type3A = arith.extui %ne3A_2 : i1 to i32
    %cond3A = arith.constant 0 : i32
    %cond3A_3 = arith.cmpi ne, %convert_element_type3A, %cond3A : i32
    scf.if %cond3A_3 {
      %get3A_4 = arith.constant 0 : index
      %get3A_5 = arith.constant 0 : index
      %get3A_6 = vector.load %arg4[%get3A_4, %get3A_5] : memref<256x768xf32, #tpu.memory_space<vmem>>, vector<256x768xf32>
      %get3A_7 = arith.constant 0 : index
      %get3A_8 = arith.constant 0 : index
      %get3A_9 = arith.constant 0 : index
      %get3A_10 = vector.load %arg5[%get3A_7, %get3A_8, %get3A_9] : memref<1x768x1536xf32, #tpu.memory_space<vmem>>, vector<1x768x1536xf32>
      %get3A_11 = vector.shape_cast %get3A_10 : vector<1x768x1536xf32> to vector<768x1536xf32>
      %dot_general3A = arith.constant dense<0.000000e+00> : vector<256x1536xf32>
      %dot_general3A_12 = tpu.matmul %get3A_6, %get3A_11, %dot_general3A {dimension_numbers = #tpu.dot_dimension_numbers<[1], [0], [0], [1], [0, 0, 1, 1], [], []>, transpose_lhs_hint = false} : vector<256x768xf32>, vector<768x1536xf32>, vector<256x1536xf32> -> vector<256x1536xf32>
      %get3A_13 = arith.constant 0 : index
      %get3A_14 = arith.constant 0 : index
      %get3A_15 = arith.constant 0 : index
      %get3A_16 = vector.load %arg7[%get3A_13, %get3A_14, %get3A_15] : memref<1x1x1536xf32, #tpu.memory_space<vmem>>, vector<1x1x1536xf32>
      %get3A_17 = vector.shape_cast %get3A_16 : vector<1x1x1536xf32> to vector<1x1536xf32>
      %add3A_18 = vector.broadcast %get3A_17 : vector<1x1536xf32> to vector<256x1536xf32>
      %add3A_19 = arith.addf %dot_general3A_12, %add3A_18 : vector<256x1536xf32>
      %mul3A_20 = arith.constant 5.000000e-01 : f32
      %mul3A_21 = vector.broadcast %mul3A_20 : f32 to vector<256x1536xf32>
      %mul3A_22 = arith.mulf %mul3A_21, %add3A_19 : vector<256x1536xf32>
      %div3A = arith.constant 1.41421354 : f32
      %div3A_23 = vector.broadcast %div3A : f32 to vector<256x1536xf32>
      %div3A_24 = arith.divf %add3A_19, %div3A_23 : vector<256x1536xf32>
      %erf3A = math.erf %div3A_24 : vector<256x1536xf32>
      %add3A_25 = arith.constant 1.000000e+00 : f32
      %add3A_26 = vector.broadcast %add3A_25 : f32 to vector<256x1536xf32>
      %add3A_27 = arith.addf %add3A_26, %erf3A : vector<256x1536xf32>
      %mul3A_28 = arith.mulf %mul3A_22, %add3A_27 : vector<256x1536xf32>
      %get3A_29 = arith.constant 0 : index
      %get3A_30 = arith.constant 0 : index
      %get3A_31 = arith.constant 0 : index
      %get3A_32 = vector.load %arg6[%get3A_29, %get3A_30, %get3A_31] : memref<1x1536x768xf32, #tpu.memory_space<vmem>>, vector<1x1536x768xf32>
      %get3A_33 = vector.shape_cast %get3A_32 : vector<1x1536x768xf32> to vector<1536x768xf32>
      %dot_general3A_34 = arith.constant dense<0.000000e+00> : vector<256x768xf32>
      %dot_general3A_35 = tpu.matmul %mul3A_28, %get3A_33, %dot_general3A_34 {dimension_numbers = #tpu.dot_dimension_numbers<[1], [0], [0], [1], [0, 0, 1, 1], [], []>, transpose_lhs_hint = false} : vector<256x1536xf32>, vector<1536x768xf32>, vector<256x768xf32> -> vector<256x768xf32>
      %get3A_36 = arith.constant 0 : index
      %get3A_37 = arith.constant 0 : index
      %get3A_38 = arith.constant 0 : index
      %get3A_39 = vector.load %arg8[%get3A_36, %get3A_37, %get3A_38] : memref<1x1x768xf32, #tpu.memory_space<vmem>>, vector<1x1x768xf32>
      %get3A_40 = vector.shape_cast %get3A_39 : vector<1x1x768xf32> to vector<1x768xf32>
      %add3A_41 = vector.broadcast %get3A_40 : vector<1x768xf32> to vector<256x768xf32>
      %add3A_42 = arith.addf %dot_general3A_35, %add3A_41 : vector<256x768xf32>
      %swap3A = arith.constant 0 : index
      %swap3A_43 = arith.constant 0 : index
      %swap3A_44 = vector.load %arg9[%swap3A, %swap3A_43] : memref<256x768xf32, #tpu.memory_space<vmem>>, vector<256x768xf32>
      tpu.vector_store %arg9[%swap3A, %swap3A_43], %add3A_42 {strides = array<i32>} : memref<256x768xf32, #tpu.memory_space<vmem>>, vector<256x768xf32>,
    } else {
    }
    return
  }
  func.func @transform_0(%arg0: i32, %arg1: i32, %arg2: memref<64xi32, #tpu.memory_space<smem>>, %arg3: memref<64xi32, #tpu.memory_space<smem>>) -> (i32, i32) {
    %mul3A = arith.constant 8 : i32
    %mul3A_0 = arith.muli %arg0, %mul3A : i32
    %add3A = arith.addi %mul3A_0, %arg1 : i32
    %get3A = arith.index_cast %add3A : i32 to index
    %get3A_1 = memref.load %arg2[%get3A] : memref<64xi32, #tpu.memory_space<smem>>
    %c0_i32 = arith.constant 0 : i32
    %c0_i32_2 = arith.constant 0 : i32
    return %get3A_1, %c0_i32 : i32, i32
  }
  func.func @transform_1(%arg0: i32, %arg1: i32, %arg2: memref<64xi32, #tpu.memory_space<smem>>, %arg3: memref<64xi32, #tpu.memory_space<smem>>) -> (i32, i32, i32) {
    %c0_i32 = arith.constant 0 : i32
    %c0_i32_0 = arith.constant 0 : i32
    %c0_i32_1 = arith.constant 0 : i32
    return %arg0, %c0_i32, %c0_i32_0 : i32, i32, i32
  }
  func.func @transform_2(%arg0: i32, %arg1: i32, %arg2: memref<64xi32, #tpu.memory_space<smem>>, %arg3: memref<64xi32, #tpu.memory_space<smem>>) -> (i32, i32, i32) {
    %c0_i32 = arith.constant 0 : i32
    %c0_i32_0 = arith.constant 0 : i32
    %c0_i32_1 = arith.constant 0 : i32
    return %arg0, %c0_i32, %c0_i32_0 : i32, i32, i32
  }
  func.func @transform_3(%arg0: i32, %arg1: i32, %arg2: memref<64xi32, #tpu.memory_space<smem>>, %arg3: memref<64xi32, #tpu.memory_space<smem>>) -> (i32, i32, i32) {
    %c0_i32 = arith.constant 0 : i32
    %c0_i32_0 = arith.constant 0 : i32
    %c0_i32_1 = arith.constant 0 : i32
    return %arg0, %c0_i32, %c0_i32_0 : i32, i32, i32
  }
  func.func @transform_4(%arg0: i32, %arg1: i32, %arg2: memref<64xi32, #tpu.memory_space<smem>>, %arg3: memref<64xi32, #tpu.memory_space<smem>>) -> (i32, i32, i32) {
    %c0_i32 = arith.constant 0 : i32
    %c0_i32_0 = arith.constant 0 : i32
    %c0_i32_1 = arith.constant 0 : i32
    return %arg0, %c0_i32, %c0_i32_0 : i32, i32, i32
  }
  func.func @transform_5(%arg0: i32, %arg1: i32, %arg2: memref<64xi32, #tpu.memory_space<smem>>, %arg3: memref<64xi32, #tpu.memory_space<smem>>) -> (i32, i32) {
    %mul3A = arith.constant 8 : i32
    %mul3A_0 = arith.muli %arg0, %mul3A : i32
    %add3A = arith.addi %mul3A_0, %arg1 : i32
    %get3A = arith.index_cast %add3A : i32 to index
    %get3A_1 = memref.load %arg2[%get3A] : memref<64xi32, #tpu.memory_space<smem>>
    %c0_i32 = arith.constant 0 : i32
    %c0_i32_2 = arith.constant 0 : i32
    return %get3A_1, %c0_i32 : i32, i32
  }
}

</mosaic_0001>

<sc_bundles>
// kernel: kernel.10.cloned.1.call-start
scs
__scs_entry_jumppad:
0x0: {  	(pc) =	sbr.rel $0x88, $3  }
0x1: {  	(tag) =	ssettag $0x0;
	lr =	simm.s32 $0x1  }
0x2: {  	[smem:$0x3F9B] =	sst lr;
	_ =	strace $0xD0000000  }
0x3: {  	_ = 	snop  }
0x4: {  	_ = 	snop  }
0x5: {  	_ = 	snop  }
0x6: {  	_ = 	snop  }
0x7: {  	_ = 	snop  }
__scs_overlays_trampoline_lowered:
0x8: {  	[smem:$0x3FAA] =	sst s0  }
0x9: {  	[smem:$0x3FAB] =	sst s1  }
0xa: {  	[smem:$0x3FAC] =	sst s2  }
0xb: {  	[smem:$0x3FAD] =	sst s3  }
0xc: {  	[smem:$0x3FAE] =	sst s4  }
0xd: {  	[smem:$0x3FAF] =	sst s5  }
0xe: {  	[smem:$0x3FB0] =	sst s6  }
0xf: {  	[smem:$0x3FB1] =	sst s7  }
0x10: {  	[smem:$0x3FB2] =	sst s8  }
0x11: {  	[smem:$0x3FB3] =	sst s9;
	s0 =	simm.s32 @!p0 $0x0  }
0x12: {  	s1 =	sld [smem:$0x3F99];
	s0 =	simm.s32 @p0 $0x1  }
0x13: {  	[smem:$0x3FB4] =	sst s0;
	s0 =	simm.s32 @!p1 $0x0  }
0x14: {  	s2 =	sld [smem:$0x3F98];
	s0 =	simm.s32 @p1 $0x1  }
0x15: {  	[smem:$0x3FB5] =	sst s0;
	s0 =	simm.s32 @!p2 $0x0  }
0x16: {  	s3 =	sld [smem:$0x3FDB];
	s0 =	simm.s32 @p2 $0x1  }
0x17: {  	s4 =	simm.s32 $0x1BF5;
	[smem:$0x3FB7] =	sst s0  }
0x18: {  	s0 =	sld [smem:$0x3F9A];
	_ =	swait.ge [sflag:s4], $0x0  }
0x19: {  	s7 =	sld [smem:$0x3F9B]  }
0x1a: {  	s8 =	sadd.s32 $0xFFFFE003, lr  }
0x1b: {  	s9 =	sadd.s32 $0xFFFFFEF7, lr;
	s5 =	simm.s32 $0xFFFFFFFF;
	p2 =	slt.u32 s8, $0xFFFFF086  }
0x1c: {  	p1 =	slt.u32 s9, $0xF7A;
	s5 =	simm.s32 @!p2 $0x0  }
0x1d: {  	s5 =	simm.s32 @p1 $0x1;
	p0 =	seq.s32 s7, s2  }
0x1e: {  	s7 =	smul.u32 @!p0 $0xF7A, s2;
	p2 =	seq.s32 @!p0 s5, $0x0  }
0x1f: {  	s9 =	smul.u32 $0xF7A, s1;
	s8 =	simm.s32 @!p0 $0x1BF5;
	p2 =	por !p2, p0  }
0x20: {  	[sflag:s8] =	ssyncset.s32 @!p0 $0xFFFFF086;
	s6 =	sadd.s32 @!p0 s3, s7;
	s7 =	simm.s32 @!p0 $0x108  }
0x21: {  	s3 =	sadd.s32 s3, s9;
	s6 =	sadd.s32 @!p0 $0x88, s6;
	s7 =	simm.s32 @p2 $0x1082  }
0x22: {  	[simem:s7], [sflag:s8] =	dma.local @!p0 [hbm:s6], $0xF7A  }
0x23: {  	s9 =	sor.u32 $0xD0000000, s2;
	s6 =	simm.s32 $0x108;
	_ =	swait.ge @!p0 [sflag:s8], $0x0  }
0x24: {  	s3 =	sadd.s32 $0x88, s3;
	s6 =	simm.s32 @!p1 $0x1082;
	[sflag:s4] =	ssyncset.s32 $0xFFFFF086  }
0x25: {  	[simem:s6], [sflag:s4] =	dma.local [hbm:s3], $0xF7A  }
0x26: {  	[smem:$0x3F9B] =	sst s1;
	(tag) =	ssettag s2;
	_ =	strace s9  }
0x27: {  	s1 =	sld [smem:$0x3FAB]  }
0x28: {  	s2 =	sld [smem:$0x3FAC]  }
0x29: {  	s4 =	sld [smem:$0x3FAE]  }
0x2a: {  	p0 =	seq.s32 s5, $0x0;
	s5 =	sld [smem:$0x3FAF]  }
0x2b: {  	s6 =	sld [smem:$0x3FB0]  }
0x2c: {  	s7 =	sld [smem:$0x3FB1]  }
0x2d: {  	s3 =	simm.s32 $0x108;
	s8 =	sld [smem:$0x3FB2]  }
0x2e: {  	s3 =	simm.s32 @!p0 $0x1082;
	s9 =	sld [smem:$0x3FB3]  }
0x2f: {  	lr =	sadd.s32 s0, s3;
	s0 =	sld [smem:$0x3FAA]  }
0x30: {  	s3 =	sld [smem:$0x3FAD]  }
0x31: {  	[smem:$0x3FB6] =	sst s10  }
0x32: {  	s10 =	sld [smem:$0x3FB4];
	_ =	sdelay $0x3  }
0x33: {  	p0 =	seq.s32 s10, $0x1;
	s10 =	sld [smem:$0x3FB6];
	_ =	sdelay $0x3  }
0x34: {  	[smem:$0x3FB6] =	sst s10  }
0x35: {  	s10 =	sld [smem:$0x3FB5];
	_ =	sdelay $0x3  }
0x36: {  	p1 =	seq.s32 s10, $0x1;
	s10 =	sld [smem:$0x3FB6];
	_ =	sdelay $0x3  }
0x37: {  	[smem:$0x3FB6] =	sst s10  }
0x38: {  	s10 =	sld [smem:$0x3FB7]  }
0x39: {  	_ = 	snop;
	(pc) =	sbr.ind lr, $3  }
0x3a: {  	_ = 	snop  }
0x3b: {  	_ = 	snop  }
0x3c: {  	p2 =	seq.s32 s10, $0x1;
	s10 =	sld [smem:$0x3FB6]  }
0x3d: {  	_ =	shalt  }
0x3e: {  	_ =	shalt  }
0x3f: {  	_ =	shalt  }
0x40: {  	_ =	shalt  }
0x41: {  	_ =	shalt  }
0x42: {  	_ =	shalt  }
0x43: {  	_ =	shalt  }
0x44: {  	_ =	shalt  }
0x45: {  	_ =	shalt  }
0x46: {  	_ =	shalt  }
0x47: {  	_ =	shalt  }
0x48: {  	_ =	shalt  }
0x49: {  	_ =	shalt  }
0x4a: {  	_ =	shalt  }
0x4b: {  	_ =	shalt  }
0x4c: {  	_ =	shalt  }
0x4d: {  	_ =	shalt  }
0x4e: {  	_ =	shalt  }
0x4f: {  	_ =	shalt  }
0x50: {  	_ =	shalt  }
0x51: {  	_ =	shalt  }
0x52: {  	_ =	shalt  }
0x53: {  	_ =	shalt  }
0x54: {  	_ =	shalt  }
0x55: {  	_ =	shalt  }
0x56: {  	_ =	shalt  }
0x57: {  	_ =	shalt  }
0x58: {  	_ =	shalt  }
0x59: {  	_ =	shalt  }
0x5a: {  	_ =	shalt  }
0x5b: {  	_ =	shalt  }
0x5c: {  	_ =	shalt  }
0x5d: {  	_ =	shalt  }
0x5e: {  	_ =	shalt  }
0x5f: {  	_ =	shalt  }
0x60: {  	_ =	shalt  }
0x61: {  	_ =	shalt  }
0x62: {  	_ =	shalt  }
0x63: {  	_ =	shalt  }
0x64: {  	_ =	shalt  }
0x65: {  	_ =	shalt  }
0x66: {  	_ =	shalt  }
0x67: {  	_ =	shalt  }
0x68: {  	_ =	shalt  }
0x69: {  	_ =	shalt  }
0x6a: {  	_ =	shalt  }
0x6b: {  	_ =	shalt  }
0x6c: {  	_ =	shalt  }
0x6d: {  	_ =	shalt  }
0x6e: {  	_ =	shalt  }
0x6f: {  	_ =	shalt  }
0x70: {  	_ =	shalt  }
0x71: {  	_ =	shalt  }
0x72: {  	_ =	shalt  }
0x73: {  	_ =	shalt  }
0x74: {  	_ =	shalt  }
0x75: {  	_ =	shalt  }
0x76: {  	_ =	shalt  }
0x77: {  	_ =	shalt  }
0x78: {  	_ =	shalt  }
0x79: {  	_ =	shalt  }
0x7a: {  	_ =	shalt  }
0x7b: {  	_ =	shalt  }
0x7c: {  	_ =	shalt  }
0x7d: {  	_ =	shalt  }
0x7e: {  	_ =	shalt  }
0x7f: {  	_ =	shalt  }
0x80: {  	_ =	shalt  }
0x81: {  	_ =	shalt  }
0x82: {  	_ =	shalt  }
0x83: {  	_ =	shalt  }
0x84: {  	_ =	shalt  }
0x85: {  	_ =	shalt  }
0x86: {  	_ =	shalt  }
0x87: {  	_ =	shalt  }
.Lfunc_end0:
.L_simem_size_0:
called_computation.1_lowered:
.L_overlay_start_0:
0x88: {  	s2 =	sld [smem:$0x3FD9]  }
0x89: {  	s3 =	sld [smem:$0x3FFE];
	_ =	sdelay $0x1  }
0x8a: {  	s1 =	srdreg.scid  }
0x8b: {  	s0 =	sand.u32 $0x1, s1  }
0x8c: {  	s16 =	sshll.u32 s0, $0xA;
	s2 =	sadd.s32 s3, s2  }
0x8d: {  	s2 =	sadd.s32 s2, s16  }
0x8e: {  	[smem:$0x3FC2] =	sst s2  }
0x8f: {  	_ = 	snop  }
0x90: {  	(tm) =	ssettm $0x1  }
0x91: {  	s17 =	sld [smem:$0x3FFB];
	_ =	sdelay $0x3  }
0x92: {  	_ =	strace s17  }
0x93: {  	s2 =	sld [smem:$0x3FFC];
	_ =	sdelay $0x3  }
0x94: {  	_ =	strace s2  }
0x95: {  	s2 =	sld [smem:$0x3FFD];
	_ =	sdelay $0x3  }
0x96: {  	_ =	strace s2  }
0x97: {  	_ =	strace $0x8FFFFFFF  }
0x98: {  	s18 =	sld [smem:$0x3FDB];
	_ =	sdelay $0x1  }
0x99: {  	s19 =	simm.s32 $_scs_section_size  }
0x9a: {  	s4 =	simm.s32 $_size__tile_overlayer_lowered;
	s5 =	simm.s32 $_tile_overlayer_lowered  }
0x9b: {  	s22 =	simm.s32 $0x1BFF;
	s21 =	sshll.u32 s5, $0x1;
	s2 =	sadd.s32 s19, s18  }
0x9c: {  	s6 =	simm.s32 $0x0;
	s20 =	sshll.u32 s4, $0x1;
	s4 =	sadd.s32 s21, s2  }
0x9d: {  	[timem:s6], [sflag:s22] =	dma.local [hbm:s4], s20  }
0x9e: {  	_ =	swait.ge [sflag:s22], s20  }
0x9f: {  	s3 =	ssub.s32 $0x0, s20;
	[sflag:s22] =	ssyncset.done $0x0  }
0xa0: {  	[sflag:s22] =	ssyncadd.s32 s3;
	_ =	sdelay $0x1  }
0xa1: {  	s23 =	simm.s32 $0x1B8B  }
0xa2: {  	_ =	swait.ge [sflag:s23], $0x1  }
0xa3: {  	[sflag:s23] =	ssyncset.done $0x0  }
0xa4: {  	s25 =	simm.s32 $0x1B8E;
	s24 =	sld [smem:$0x3FFE];
	[sflag:s23] =	ssyncadd.s32 $0xFFFFFFFF  }
0xa5: {  	s26 =	simm.s32 $execute0_lowered;
	[smem:$0x3FD2] =	sst s25  }
0xa6: {  	s4 =	sshll.u32 s26, $0x1;
	_ =	strace $0x80000049;
	[dreg:$0x1] =	wrdreg $0xFFFFFFFF  }
0xa7: {  	s28 =	simm.s32 $_size_execute0_lowered;
	s2 =	sadd.s32 s2, s4;
	[dreg:$0x0] =	wrdreg $0x0  }
0xa8: {  	s4 =	sshll.u32 s28, $0x1;
	[dreg:$0x2] =	wrdreg s2  }
0xa9: {  	[dreg:$0x3] =	wrdreg s4  }
0xaa: {  	[dreg:$0x4] =	wrdreg $0xC0  }
0xab: {  	_ =	task [dreg:s6], $0x5FFFF  }
0xac: {  	[dreg:$0x1] =	wrdreg $0xFFFFFFFF  }
0xad: {  	[dreg:$0x0] =	wrdreg $0x60  }
0xae: {  	[dreg:$0x2] =	wrdreg s24  }
0xaf: {  	[dreg:$0x3] =	wrdreg $0x9  }
0xb0: {  	_ =	task.clear_ibuf [dreg:s6], $0x4FFFF;
	_ =	strace $0x90000049  }
0xb1: {  	s29 =	simm.s32 $0x9;
	_ =	strace $0x8000004B  }
0xb2: {  	_ =	swait.ge [sflag:s29], $0x1  }
0xb3: {  	[sflag:s29] =	ssyncadd.s32 $0xFFFFFFFF  }
0xb4: {  	_ =	strace $0x9000004B  }
0xb5: {  	_ =	sfence  }
0xb6: {  	s30 =	sld [smem:$0x0];
	_ =	sdelay $0x2  }
0xb7: {  	s31 =	sshll.u32 s1, $0xD;
	s1 =	sshrl.u32 s1, $0x2  }
0xb8: {  	s3 =	sand.u32 $0x4000, s31;
	s1 =	sadd.s32 s1, s30  }
0xb9: {  	s0 =	sor.u32 s3, s0;
	s1 =	sshll.u32 s1, $0x11  }
0xba: {  	s0 =	sor.u32 s1, s0  }
0xbb: {  	s0 =	sadd.s32 $0x8F2B, s0  }
0xbc: {  	[sflag:s0] =	ssyncadd.remote.s32 $0x1  }
0xbd: {  	_ =	sfence.sel $0xFFFF  }
0xbe: {  	[dreg:$0x0] =	wrdreg $0xFFFFFFFF;
	(pc) =	sbr.abs _section_cstart, $3  }
0xbf: {  	[dreg:$0x1] =	wrdreg $0xFFFFFFFF  }
0xc0: {  	_ =	task.clear_ibuf [dreg:s6], $0x2FFFF;
	_ =	strace $0x9FFFFFFF  }
0xc1: {  	(tm) =	ssettm $0x7FFFFFFF  }
tec
execute0_lowered:
.L_overlay_start_1:
0x0: {  	(tag) =	ssettag $0x1  }
0x1: {  	s1 =	srdreg.scid;
	s0 =	stileid.u32  }
0x2: {  	s4 =	sand.u32 $0x1, s1;
	s3 =	sshll.u32 s0, $0x7  }
0x3: {  	s1 =	rddreg [dreg:$0x0];
	s5 =	sshll.u32 s0, $0x8;
	s2 =	sshll.u32 s4, $0x6  }
0x4: {  	s3 =	sor.u32 s2, s3;
	s5 =	sor.u32 s2, s5;
	s2 =	simm.s32 $0x0  }
0x5: {  	s22 =	simm.s32 $0x80;
	[smem:$0x7FF] =	sst s2  }
0x6: {  	s23 =	simm.s32 $0x900;
	_ =	strace $0x8000004A;
	[dreg:$0x6] =	wrdreg s22  }
0x7: {  	s24 =	simm.s32 $0x1100;
	[dreg:$0x7] =	wrdreg s23  }
0x8: {  	s25 =	simm.s32 $0x1900;
	[dreg:$0x8] =	wrdreg s24  }
0x9: {  	s26 =	simm.s32 $0x2100;
	[dreg:$0x9] =	wrdreg s25  }
0xa: {  	s8 =	simm.s32 $0x4900;
	s0 =	simm.s32 $0x2900;
	[dreg:$0xa] =	wrdreg s26  }
0xb: {  	s9 =	simm.s32 $0x5100;
	s10 =	simm.s32 $0x5900;
	[dreg:$0xb] =	wrdreg s0  }
0xc: {  	s11 =	simm.s32 $0x6100;
	s12 =	simm.s32 $0x6900;
	[dreg:$0xf] =	wrdreg s8  }
0xd: {  	s13 =	simm.s32 $0x7100;
	s14 =	simm.s32 $0x7900;
	[dreg:$0x10] =	wrdreg s9  }
0xe: {  	s15 =	simm.s32 $0x8100;
	s16 =	simm.s32 $0x8900;
	[dreg:$0x11] =	wrdreg s10  }
0xf: {  	s17 =	simm.s32 $0x9100;
	s18 =	simm.s32 $0x9900;
	[dreg:$0x12] =	wrdreg s11  }
0x10: {  	s28 =	simm.s32 $0x16900;
	s29 =	simm.s32 $0x17100;
	[dreg:$0x13] =	wrdreg s12  }
0x11: {  	s30 =	simm.s32 $0x17900;
	s31 =	simm.s32 $0x1;
	[dreg:$0x14] =	wrdreg s13  }
0x12: {  	s7 =	sadd.s32 $0x1810, s1;
	s4 =	ssub.s32 $0x2, s4;
	[dreg:$0x15] =	wrdreg s14  }
0x13: {  	s19 =	sshrl.u32 s4, $0x1;
	s3 =	sshrl.u32 s3, $0x3;
	[dreg:$0x16] =	wrdreg s15  }
0x14: {  	s5 =	sshrl.u32 s5, $0x3;
	s3 =	smul.u32 $0x300, s3;
	[dreg:$0x17] =	wrdreg s16  }
0x15: {  	s6 =	sadd.s32 s5, s1;
	s21 =	sadd.s32 s5, s7;
	[dreg:$0x18] =	wrdreg s17  }
0x16: {  	s5 =	simm.s32 $0x3100;
	s7 =	simm.s32 $0x4100;
	[dreg:$0x19] =	wrdreg s18  }
0x17: {  	s22 =	simm.s32 $0xB100;
	s23 =	simm.s32 $0xB900;
	s24 =	simm.s32 $0xC900  }
0x18: {  	s25 =	simm.s32 $0xD100;
	s8 =	simm.s32 $0x100;
	[dreg:$0x5] =	wrdreg s21  }
0x19: {  	s26 =	simm.s32 $0xD900;
	s9 =	simm.s32 $0xC100;
	[dreg:$0xc] =	wrdreg s5  }
0x1a: {  	s11 =	simm.s32 $0xE900;
	s12 =	simm.s32 $0xF100;
	[dreg:$0xe] =	wrdreg s7  }
0x1b: {  	s13 =	simm.s32 $0xF900;
	s14 =	simm.s32 $0x10100;
	[dreg:$0x1c] =	wrdreg s22  }
0x1c: {  	s15 =	simm.s32 $0x10900;
	s16 =	simm.s32 $0x11100;
	[dreg:$0x1d] =	wrdreg s23  }
0x1d: {  	s17 =	simm.s32 $0x11900;
	s18 =	simm.s32 $0x12100;
	[dreg:$0x1e] =	wrdreg s24  }
0x1e: {  	s6 =	sadd.s32 $0x1800, s6;
	s21 =	simm.s32 $0xA900;
	[dreg:$0x1f] =	wrdreg s25  }
0x1f: {  	s5 =	sadd.s32 $0x1C00, s1;
	s7 =	simm.s32 $0x3;
	[smem:$0x7FD] =	sst s26  }
0x20: {  	s22 =	simm.s32 $0x14100;
	s23 =	simm.s32 $0x14900;
	s24 =	simm.s32 $0x15100  }
0x21: {  	s25 =	simm.s32 $0x15900;
	s26 =	simm.s32 $0x16100;
	[dreg:$0x2] =	wrdreg s6  }
0x22: {  	s3 =	sadd.s32 s3, s1;
	s6 =	simm.s32 $0x3900;
	[dreg:$0x1b] =	wrdreg s21  }
0x23: {  	s21 =	simm.s32 $0x13900;
	s20 =	sadd.s32 $0x91A00, s3;
	[dreg:$0xd] =	wrdreg s6  }
0x24: {  	s3 =	sadd.s32 $0xC1A00, s3;
	s6 =	ssub.s32 s4, s19;
	[dreg:$0x3] =	wrdreg s20  }
0x25: {  	v2 =	vlaneseq.u32;
	s4 =	sadd.s32 $0x1B00, s1;
	s19 =	simm.s32 $0x12900;
	[dreg:$0x4] =	wrdreg s3  }
0x26: {  	vm0 =	vmmov $0xffff;
	v1 =	vshrl.u32 v2, $0x3;
	s3 =	sadd.s32 $0x1A00, s1;
	s20 =	simm.s32 $0xA100;
	s6 =	smax.u32 s6, $0x1  }
0x27: {  	v0 =	vand.u32 $0x7, v2;
	v2 =	vor.u32 $0x8, v2;
	v1 =	vmul.u32 $0x8, v1;
	s1 =	simm.s32 $0x2;
	[dreg:$0x1a] =	wrdreg s20;
	s20 =	simm.s32 $0x13100  }
.LBB2_1:
0x28: {  	s0 =	rddreg [dreg:$0x2]  }
0x29: {  	[tilespmem:s2], [sflag:$0x3] =	stream.linear.gather [hbm4b:s0+s2], $0x40, $0x38;
	[tilespmem:$0x18100] =	vst v63  }
0x2a: {  	_ =	swait.ge [sflag:s7], $0x40  }
0x2b: {  	s0 =	rddreg [dreg:$0x5];
	[sflag:s7] =	ssyncset.done $0x0  }
0x2c: {  	s10 =	rddreg [dreg:$0x6];
	[sflag:s7] =	ssyncadd.s32 $0xFFFFFFC0  }
0x2d: {  	[tilespmem:s10], [sflag:$0x3] =	stream.linear.gather [hbm4b:s0+s2], $0x40, $0x38;
	[tilespmem:$0x18100] =	vst v63  }
0x2e: {  	_ =	swait.ge [sflag:s7], $0x40  }
0x2f: {  	[sflag:s7] =	ssyncset.done $0x0  }
0x30: {  	[sflag:s7] =	ssyncadd.s32 $0xFFFFFFC0  }
0x31: {  	v3 =	vld [tilespmem:$0x0];
	_ =	sdelay $0x4  }
0x32: {  	v4 =	vshrl.u32 v3, $0x3  }
0x33: {  	v4 =	vmul.u32 $0x30, v4  }
0x34: {  	v3 =	vand.u32 $0x7, v3  }
0x35: {  	v3 =	vor.u32 v3, v4  }
0x36: {  	v4 =	vperm.xlane v3, v0;
	_ =	sdelay $0x1  }
0x37: {  	v4 =	vadd.s32 v1, v4;
	_ =	sdelay $0x3  }
0x38: {  	v3 =	vperm.xlane v3, v2  }
0x39: {  	[tilespmem:s8], [sflag:$0x1] =	stream.indirect_vreg.gather [hbm4b:s3+s2], $0x80, v4, vm0, $0xb8;
	[tilespmem:$0x18100] =	vst v63  }
0x3a: {  	s0 =	rddreg [dreg:$0x7];
	v3 =	vadd.s32 v1, v3  }
0x3b: {  	[tilespmem:s0], [sflag:$0x1] =	stream.indirect_vreg.gather [hbm4b:s4+s2], $0x80, v4, vm0, $0xb8;
	[tilespmem:$0x18100] =	vst v63  }
0x3c: {  	s10 =	rddreg [dreg:$0x8]  }
0x3d: {  	[tilespmem:s10], [sflag:$0x1] =	stream.indirect_vreg.gather [hbm4b:s5+s2], $0x80, v4, vm0, $0xb8;
	[tilespmem:$0x18100] =	vst v63  }
0x3e: {  	s0 =	rddreg [dreg:$0x9]  }
0x3f: {  	[tilespmem:s0], [sflag:$0x1] =	stream.indirect_vreg.gather [hbm4b:s3+s2], $0x80, v3, vm0, $0xb8;
	[tilespmem:$0x18100] =	vst v63  }
0x40: {  	s10 =	rddreg [dreg:$0xa]  }
0x41: {  	[tilespmem:s10], [sflag:$0x1] =	stream.indirect_vreg.gather [hbm4b:s4+s2], $0x80, v3, vm0, $0xb8;
	[tilespmem:$0x18100] =	vst v63  }
0x42: {  	s0 =	rddreg [dreg:$0xb]  }
0x43: {  	[tilespmem:s0], [sflag:$0x1] =	stream.indirect_vreg.gather [hbm4b:s5+s2], $0x80, v3, vm0, $0xb8;
	[tilespmem:$0x18100] =	vst v63  }
0x44: {  	v3 =	vld [tilespmem:$0x10];
	_ =	sdelay $0x4  }
0x45: {  	v57 =	vshrl.u32 v3, $0x3  }
0x46: {  	v4 =	vmul.u32 $0x30, v57  }
0x47: {  	v3 =	vand.u32 $0x7, v3  }
0x48: {  	v3 =	vor.u32 v3, v4  }
0x49: {  	v4 =	vperm.xlane v3, v0;
	_ =	sdelay $0x1  }
0x4a: {  	v4 =	vadd.s32 v1, v4;
	_ =	sdelay $0x3  }
0x4b: {  	s0 =	rddreg [dreg:$0xc];
	v3 =	vperm.xlane v3, v2  }
0x4c: {  	[tilespmem:s0], [sflag:$0x1] =	stream.indirect_vreg.gather [hbm4b:s3+s2], $0x80, v4, vm0, $0xb8;
	[tilespmem:$0x18100] =	vst v63  }
0x4d: {  	s10 =	rddreg [dreg:$0xd];
	v3 =	vadd.s32 v1, v3  }
0x4e: {  	[tilespmem:s10], [sflag:$0x1] =	stream.indirect_vreg.gather [hbm4b:s4+s2], $0x80, v4, vm0, $0xb8;
	[tilespmem:$0x18100] =	vst v63  }
0x4f: {  	s0 =	rddreg [dreg:$0xe]  }
0x50: {  	[tilespmem:s0], [sflag:$0x1] =	stream.indirect_vreg.gather [hbm4b:s5+s2], $0x80, v4, vm0, $0xb8;
	[tilespmem:$0x18100] =	vst v63  }
0x51: {  	s10 =	rddreg [dreg:$0xf]  }
0x52: {  	[tilespmem:s10], [sflag:$0x1] =	stream.indirect_vreg.gather [hbm4b:s3+s2], $0x80, v3, vm0, $0xb8;
	[tilespmem:$0x18100] =	vst v63  }
0x53: {  	s0 =	rddreg [dreg:$0x10]  }
0x54: {  	[tilespmem:s0], [sflag:$0x1] =	stream.indirect_vreg.gather [hbm4b:s4+s2], $0x80, v3, vm0, $0xb8;
	[tilespmem:$0x18100] =	vst v63  }
0x55: {  	s10 =	rddreg [dreg:$0x11]  }
0x56: {  	[tilespmem:s10], [sflag:$0x1] =	stream.indirect_vreg.gather [hbm4b:s5+s2], $0x80, v3, vm0, $0xb8;
	[tilespmem:$0x18100] =	vst v63  }
0x57: {  	v3 =	vld [tilespmem:$0x20];
	_ =	sdelay $0x4  }
0x58: {  	v58 =	vshrl.u32 v3, $0x3  }
0x59: {  	v4 =	vmul.u32 $0x30, v58  }
0x5a: {  	v3 =	vand.u32 $0x7, v3  }
0x5b: {  	v3 =	vor.u32 v3, v4  }
0x5c: {  	v4 =	vperm.xlane v3, v0;
	_ =	sdelay $0x1  }
0x5d: {  	v4 =	vadd.s32 v1, v4;
	_ =	sdelay $0x3  }
0x5e: {  	s0 =	rddreg [dreg:$0x12];
	v3 =	vperm.xlane v3, v2  }
0x5f: {  	[tilespmem:s0], [sflag:$0x1] =	stream.indirect_vreg.gather [hbm4b:s3+s2], $0x80, v4, vm0, $0xb8;
	[tilespmem:$0x18100] =	vst v63  }
0x60: {  	s10 =	rddreg [dreg:$0x13];
	v3 =	vadd.s32 v1, v3  }
0x61: {  	[tilespmem:s10], [sflag:$0x1] =	stream.indirect_vreg.gather [hbm4b:s4+s2], $0x80, v4, vm0, $0xb8;
	[tilespmem:$0x18100] =	vst v63  }
0x62: {  	s0 =	rddreg [dreg:$0x14]  }
0x63: {  	[tilespmem:s0], [sflag:$0x1] =	stream.indirect_vreg.gather [hbm4b:s5+s2], $0x80, v4, vm0, $0xb8;
	[tilespmem:$0x18100] =	vst v63  }
0x64: {  	s10 =	rddreg [dreg:$0x15]  }
0x65: {  	[tilespmem:s10], [sflag:$0x1] =	stream.indirect_vreg.gather [hbm4b:s3+s2], $0x80, v3, vm0, $0xb8;
	[tilespmem:$0x18100] =	vst v63  }
0x66: {  	s0 =	rddreg [dreg:$0x16]  }
0x67: {  	[tilespmem:s0], [sflag:$0x1] =	stream.indirect_vreg.gather [hbm4b:s4+s2], $0x80, v3, vm0, $0xb8;
	[tilespmem:$0x18100] =	vst v63  }
0x68: {  	s10 =	rddreg [dreg:$0x17]  }
0x69: {  	[tilespmem:s10], [sflag:$0x1] =	stream.indirect_vreg.gather [hbm4b:s5+s2], $0x80, v3, vm0, $0xb8;
	[tilespmem:$0x18100] =	vst v63  }
0x6a: {  	v3 =	vld [tilespmem:$0x30];
	_ =	sdelay $0x4  }
0x6b: {  	v59 =	vshrl.u32 v3, $0x3  }
0x6c: {  	v4 =	vmul.u32 $0x30, v59  }
0x6d: {  	v3 =	vand.u32 $0x7, v3  }
0x6e: {  	v3 =	vor.u32 v3, v4  }
0x6f: {  	v4 =	vperm.xlane v3, v0;
	_ =	sdelay $0x1  }
0x70: {  	v4 =	vadd.s32 v1, v4;
	_ =	sdelay $0x3  }
0x71: {  	s0 =	rddreg [dreg:$0x18];
	v3 =	vperm.xlane v3, v2  }
0x72: {  	[tilespmem:s0], [sflag:$0x1] =	stream.indirect_vreg.gather [hbm4b:s3+s2], $0x80, v4, vm0, $0xb8;
	[tilespmem:$0x18100] =	vst v63  }
0x73: {  	s10 =	rddreg [dreg:$0x19];
	v3 =	vadd.s32 v1, v3  }
0x74: {  	[tilespmem:s10], [sflag:$0x1] =	stream.indirect_vreg.gather [hbm4b:s4+s2], $0x80, v4, vm0, $0xb8;
	[tilespmem:$0x18100] =	vst v63  }
0x75: {  	s0 =	rddreg [dreg:$0x1a]  }
0x76: {  	[tilespmem:s0], [sflag:$0x1] =	stream.indirect_vreg.gather [hbm4b:s5+s2], $0x80, v4, vm0, $0xb8;
	[tilespmem:$0x18100] =	vst v63  }
0x77: {  	s10 =	rddreg [dreg:$0x1b]  }
0x78: {  	[tilespmem:s10], [sflag:$0x1] =	stream.indirect_vreg.gather [hbm4b:s3+s2], $0x80, v3, vm0, $0xb8;
	[tilespmem:$0x18100] =	vst v63  }
0x79: {  	s0 =	rddreg [dreg:$0x1c]  }
0x7a: {  	[tilespmem:s0], [sflag:$0x1] =	stream.indirect_vreg.gather [hbm4b:s4+s2], $0x80, v3, vm0, $0xb8;
	[tilespmem:$0x18100] =	vst v63  }
0x7b: {  	s10 =	rddreg [dreg:$0x1d]  }
0x7c: {  	[tilespmem:s10], [sflag:$0x1] =	stream.indirect_vreg.gather [hbm4b:s5+s2], $0x80, v3, vm0, $0xb8;
	[tilespmem:$0x18100] =	vst v63  }
0x7d: {  	v3 =	vld [tilespmem:$0x80];
	_ =	sdelay $0x4  }
0x7e: {  	v60 =	vshrl.u32 v3, $0x3  }
0x7f: {  	v4 =	vmul.u32 $0x30, v60  }
0x80: {  	v3 =	vand.u32 $0x7, v3  }
0x81: {  	v3 =	vor.u32 v3, v4  }
0x82: {  	v4 =	vperm.xlane v3, v0;
	_ =	sdelay $0x1  }
0x83: {  	v4 =	vadd.s32 v1, v4;
	_ =	sdelay $0x3  }
0x84: {  	s0 =	rddreg [dreg:$0x1e];
	v3 =	vperm.xlane v3, v2  }
0x85: {  	[tilespmem:s9], [sflag:$0x2] =	stream.indirect_vreg.gather [hbm4b:s3+s2], $0x80, v4, vm0, $0xb8;
	[tilespmem:$0x18100] =	vst v63  }
0x86: {  	s10 =	rddreg [dreg:$0x1f];
	v3 =	vadd.s32 v1, v3  }
0x87: {  	[tilespmem:s0], [sflag:$0x2] =	stream.indirect_vreg.gather [hbm4b:s4+s2], $0x80, v4, vm0, $0xb8;
	[tilespmem:$0x18100] =	vst v63  }
0x88: {  	s0 =	sld [smem:$0x7FD]  }
0x89: {  	[tilespmem:s10], [sflag:$0x2] =	stream.indirect_vreg.gather [hbm4b:s5+s2], $0x80, v4, vm0, $0xb8;
	[tilespmem:$0x18100] =	vst v63  }
0x8a: {  	_ = 	snop  }
0x8b: {  	[tilespmem:s0], [sflag:$0x2] =	stream.indirect_vreg.gather [hbm4b:s3+s2], $0x80, v3, vm0, $0xb8;
	[tilespmem:$0x18100] =	vst v63  }
0x8c: {  	s10 =	simm.s32 $0xE100  }
0x8d: {  	[tilespmem:s10], [sflag:$0x2] =	stream.indirect_vreg.gather [hbm4b:s4+s2], $0x80, v3, vm0, $0xb8;
	[tilespmem:$0x18100] =	vst v63  }
0x8e: {  	_ = 	snop  }
0x8f: {  	[tilespmem:s11], [sflag:$0x2] =	stream.indirect_vreg.gather [hbm4b:s5+s2], $0x80, v3, vm0, $0xb8;
	[tilespmem:$0x18100] =	vst v63  }
0x90: {  	v3 =	vld [tilespmem:$0x90];
	_ =	sdelay $0x4  }
0x91: {  	v61 =	vshrl.u32 v3, $0x3  }
0x92: {  	v4 =	vmul.u32 $0x30, v61  }
0x93: {  	v3 =	vand.u32 $0x7, v3  }
0x94: {  	v3 =	vor.u32 v3, v4  }
0x95: {  	v4 =	vperm.xlane v3, v0;
	_ =	sdelay $0x1  }
0x96: {  	v4 =	vadd.s32 v1, v4;
	_ =	sdelay $0x3  }
0x97: {  	v3 =	vperm.xlane v3, v2  }
0x98: {  	[tilespmem:s12], [sflag:$0x2] =	stream.indirect_vreg.gather [hbm4b:s3+s2], $0x80, v4, vm0, $0xb8;
	[tilespmem:$0x18100] =	vst v63  }
0x99: {  	v3 =	vadd.s32 v1, v3  }
0x9a: {  	[tilespmem:s13], [sflag:$0x2] =	stream.indirect_vreg.gather [hbm4b:s4+s2], $0x80, v4, vm0, $0xb8;
	[tilespmem:$0x18100] =	vst v63  }
0x9b: {  	_ = 	snop  }
0x9c: {  	[tilespmem:s14], [sflag:$0x2] =	stream.indirect_vreg.gather [hbm4b:s5+s2], $0x80, v4, vm0, $0xb8;
	[tilespmem:$0x18100] =	vst v63  }
0x9d: {  	_ = 	snop  }
0x9e: {  	[tilespmem:s15], [sflag:$0x2] =	stream.indirect_vreg.gather [hbm4b:s3+s2], $0x80, v3, vm0, $0xb8;
	[tilespmem:$0x18100] =	vst v63  }
0x9f: {  	_ = 	snop  }
0xa0: {  	[tilespmem:s16], [sflag:$0x2] =	stream.indirect_vreg.gather [hbm4b:s4+s2], $0x80, v3, vm0, $0xb8;
	[tilespmem:$0x18100] =	vst v63  }
0xa1: {  	_ = 	snop  }
0xa2: {  	[tilespmem:s17], [sflag:$0x2] =	stream.indirect_vreg.gather [hbm4b:s5+s2], $0x80, v3, vm0, $0xb8;
	[tilespmem:$0x18100] =	vst v63  }
0xa3: {  	v3 =	vld [tilespmem:$0xA0];
	_ =	sdelay $0x4  }
0xa4: {  	v62 =	vshrl.u32 v3, $0x3  }
0xa5: {  	v4 =	vmul.u32 $0x30, v62  }
0xa6: {  	v3 =	vand.u32 $0x7, v3  }
0xa7: {  	v3 =	vor.u32 v3, v4  }
0xa8: {  	v4 =	vperm.xlane v3, v0;
	_ =	sdelay $0x1  }
0xa9: {  	v4 =	vadd.s32 v1, v4;
	_ =	sdelay $0x3  }
0xaa: {  	v3 =	vperm.xlane v3, v2  }
0xab: {  	[tilespmem:s18], [sflag:$0x2] =	stream.indirect_vreg.gather [hbm4b:s3+s2], $0x80, v4, vm0, $0xb8;
	[tilespmem:$0x18100] =	vst v63  }
0xac: {  	v3 =	vadd.s32 v1, v3  }
0xad: {  	[tilespmem:s19], [sflag:$0x2] =	stream.indirect_vreg.gather [hbm4b:s4+s2], $0x80, v4, vm0, $0xb8;
	[tilespmem:$0x18100] =	vst v63  }
0xae: {  	_ = 	snop  }
0xaf: {  	[tilespmem:s20], [sflag:$0x2] =	stream.indirect_vreg.gather [hbm4b:s5+s2], $0x80, v4, vm0, $0xb8;
	[tilespmem:$0x18100] =	vst v63  }
0xb0: {  	_ = 	snop  }
0xb1: {  	[tilespmem:s21], [sflag:$0x2] =	stream.indirect_vreg.gather [hbm4b:s3+s2], $0x80, v3, vm0, $0xb8;
	[tilespmem:$0x18100] =	vst v63  }
0xb2: {  	_ = 	snop  }
0xb3: {  	[tilespmem:s22], [sflag:$0x2] =	stream.indirect_vreg.gather [hbm4b:s4+s2], $0x80, v3, vm0, $0xb8;
	[tilespmem:$0x18100] =	vst v63  }
0xb4: {  	_ = 	snop  }
0xb5: {  	[tilespmem:s23], [sflag:$0x2] =	stream.indirect_vreg.gather [hbm4b:s5+s2], $0x80, v3, vm0, $0xb8;
	[tilespmem:$0x18100] =	vst v63  }
0xb6: {  	v3 =	vld [tilespmem:$0xB0];
	_ =	sdelay $0x4  }
0xb7: {  	v63 =	vshrl.u32 v3, $0x3  }
0xb8: {  	v4 =	vmul.u32 $0x30, v63  }
0xb9: {  	v3 =	vand.u32 $0x7, v3  }
0xba: {  	v3 =	vor.u32 v3, v4  }
0xbb: {  	v4 =	vperm.xlane v3, v0;
	_ =	sdelay $0x1  }
0xbc: {  	v4 =	vadd.s32 v1, v4;
	_ =	sdelay $0x3  }
0xbd: {  	v3 =	vperm.xlane v3, v2  }
0xbe: {  	[tilespmem:s24], [sflag:$0x2] =	stream.indirect_vreg.gather [hbm4b:s3+s2], $0x80, v4, vm0, $0xb8;
	[tilespmem:$0x18100] =	vst v63  }
0xbf: {  	v3 =	vadd.s32 v1, v3  }
0xc0: {  	[tilespmem:s25], [sflag:$0x2] =	stream.indirect_vreg.gather [hbm4b:s4+s2], $0x80, v4, vm0, $0xb8;
	[tilespmem:$0x18100] =	vst v63  }
0xc1: {  	_ = 	snop  }
0xc2: {  	[tilespmem:s26], [sflag:$0x2] =	stream.indirect_vreg.gather [hbm4b:s5+s2], $0x80, v4, vm0, $0xb8;
	[tilespmem:$0x18100] =	vst v63  }
0xc3: {  	_ = 	snop  }
0xc4: {  	[tilespmem:s28], [sflag:$0x2] =	stream.indirect_vreg.gather [hbm4b:s3+s2], $0x80, v3, vm0, $0xb8;
	[tilespmem:$0x18100] =	vst v63  }
0xc5: {  	_ = 	snop  }
0xc6: {  	[tilespmem:s29], [sflag:$0x2] =	stream.indirect_vreg.gather [hbm4b:s4+s2], $0x80, v3, vm0, $0xb8;
	[tilespmem:$0x18100] =	vst v63  }
0xc7: {  	_ = 	snop  }
0xc8: {  	[tilespmem:s30], [sflag:$0x2] =	stream.indirect_vreg.gather [hbm4b:s5+s2], $0x80, v3, vm0, $0xb8;
	[tilespmem:$0x18100] =	vst v63  }
0xc9: {  	_ =	swait.ge [sflag:s31], $0xC000  }
0xca: {  	[sflag:s31] =	ssyncset.done $0x0  }
0xcb: {  	[sflag:s31] =	ssyncadd.s32 $0xFFFF4000  }
0xcc: {  	_ =	swait.ge [sflag:s1], $0xC000  }
0xcd: {  	[sflag:s1] =	ssyncset.done $0x0  }
0xce: {  	s10 =	rddreg [dreg:$0x3];
	[sflag:s1] =	ssyncadd.s32 $0xFFFF4000  }
0xcf: {  	[hbm4b:s10+s2] =	stream.linear.scatter [tilespmem:s8], [sflag:$0x3], $0xC000, $0x38;
	[tilespmem:$0x18100] =	vst v63  }
0xd0: {  	_ =	swait.ge [sflag:s7], $0xC000  }
0xd1: {  	p0 =	sne.s32 s6, $0x1;
	[sflag:s7] =	ssyncset.done $0x0  }
.Ltmp0:
0xd2: {  	s10 =	rddreg [dreg:$0x4];
	[sflag:s7] =	ssyncadd.s32 $0xFFFF4000;
	(pc) =	sbr.rel @p0 .LBB2_1-.Ltmp0, $4  }
0xd3: {  	[hbm4b:s10+s2] =	stream.linear.scatter [tilespmem:s9], [sflag:$0x3], $0xC000, $0x38;
	[tilespmem:$0x18100] =	vst v63  }
0xd4: {  	_ =	swait.ge [sflag:s7], $0xC000  }
0xd5: {  	[sflag:s7] =	ssyncset.done $0x0  }
0xd6: {  	s6 =	sadd.s32 $0xFFFFFFFF, s6;
	[sflag:s7] =	ssyncadd.s32 $0xFFFF4000  }
0xd7: {  	_ =	sfence.sel $0x180000  }
0xd8: {  	[bflag:$0x0] =	sbarrier.arrive $0xFFFF  }
0xd9: {  	_ =	strace $0x9000004A  }
0xda: {  	s0 =	stileid.u32;
	[bflag:$0x2] =	sbarrier.arrive $0xFFFF  }
0xdb: {  	p0 =	sne.s32 s0, $0x0;
	s0 =	rddreg [dreg:$0x1]  }
0xdc: {  	s0 =	sadd.s32 @!p0 $0x100000, s0  }
0xdd: {  	[sflag:s0] =	ssyncadd.tile.s32 @!p0 $0x1;
	_ =	shalt  }
.Lfunc_end2:
_tile_overlayer_lowered:
.L_overlay_start_2:
0xde: {  	(tag) =	ssettag $0x2  }
0xdf: {  	s0 =	rddreg [dreg:$0x0];
	s2 =	stileid.u32  }
0xe0: {  	s1 =	rddreg [dreg:$0x1];
	p0 =	sne.s32 s2, $0x0  }
0xe1: {  	s3 =	rddreg [dreg:$0x2];
	[bflag:$0x3] =	sbarrier.arrive $0xFFFF;
	s2 =	simm.s32 @!p0 $0x1C03  }
0xe2: {  	[timem:s3], [sflag:s2] =	dma.local @!p0 [hbm:s0], s1  }
0xe3: {  	s0 =	simm.s32 @!p0 $0x3  }
0xe4: {  	_ =	swait.ge @!p0 [sflag:s0], s1  }
0xe5: {  	s1 =	ssub.s32 @!p0 $0x0, s1;
	[sflag:s0] =	ssyncset.done @!p0 $0x0  }
0xe6: {  	[sflag:s0] =	ssyncadd.s32 @!p0 s1  }
0xe7: {  	[bflag:$0x3] =	sbarrier.arrive $0xFFFF  }
0xe8: {  	_ =	shalt  }

// kernel: kernel.7.cloned.1.call-start
scs
__scs_entry_jumppad:
0x0: {  	(pc) =	sbr.rel $0x88, $3  }
0x1: {  	(tag) =	ssettag $0x0;
	lr =	simm.s32 $0x1  }
0x2: {  	[smem:$0x3F9B] =	sst lr;
	_ =	strace $0xD0000000  }
0x3: {  	_ = 	snop  }
0x4: {  	_ = 	snop  }
0x5: {  	_ = 	snop  }
0x6: {  	_ = 	snop  }
0x7: {  	_ = 	snop  }
__scs_overlays_trampoline_lowered:
0x8: {  	[smem:$0x3FAA] =	sst s0  }
0x9: {  	[smem:$0x3FAB] =	sst s1  }
0xa: {  	[smem:$0x3FAC] =	sst s2  }
0xb: {  	[smem:$0x3FAD] =	sst s3  }
0xc: {  	[smem:$0x3FAE] =	sst s4  }
0xd: {  	[smem:$0x3FAF] =	sst s5  }
0xe: {  	[smem:$0x3FB0] =	sst s6  }
0xf: {  	[smem:$0x3FB1] =	sst s7  }
0x10: {  	[smem:$0x3FB2] =	sst s8  }
0x11: {  	[smem:$0x3FB3] =	sst s9;
	s0 =	simm.s32 @!p0 $0x0  }
0x12: {  	s1 =	sld [smem:$0x3F99];
	s0 =	simm.s32 @p0 $0x1  }
0x13: {  	[smem:$0x3FB4] =	sst s0;
	s0 =	simm.s32 @!p1 $0x0  }
0x14: {  	s2 =	sld [smem:$0x3F98];
	s0 =	simm.s32 @p1 $0x1  }
0x15: {  	[smem:$0x3FB5] =	sst s0;
	s0 =	simm.s32 @!p2 $0x0  }
0x16: {  	s3 =	sld [smem:$0x3FDB];
	s0 =	simm.s32 @p2 $0x1  }
0x17: {  	s4 =	simm.s32 $0x1BF5;
	[smem:$0x3FB7] =	sst s0  }
0x18: {  	s0 =	sld [smem:$0x3F9A];
	_ =	swait.ge [sflag:s4], $0x0  }
0x19: {  	s7 =	sld [smem:$0x3F9B]  }
0x1a: {  	s8 =	sadd.s32 $0xFFFFE003, lr  }
0x1b: {  	s9 =	sadd.s32 $0xFFFFFEF7, lr;
	s5 =	simm.s32 $0xFFFFFFFF;
	p2 =	slt.u32 s8, $0xFFFFF086  }
0x1c: {  	p1 =	slt.u32 s9, $0xF7A;
	s5 =	simm.s32 @!p2 $0x0  }
0x1d: {  	s5 =	simm.s32 @p1 $0x1;
	p0 =	seq.s32 s7, s2  }
0x1e: {  	s7 =	smul.u32 @!p0 $0xF7A, s2;
	p2 =	seq.s32 @!p0 s5, $0x0  }
0x1f: {  	s9 =	smul.u32 $0xF7A, s1;
	s8 =	simm.s32 @!p0 $0x1BF5;
	p2 =	por !p2, p0  }
0x20: {  	[sflag:s8] =	ssyncset.s32 @!p0 $0xFFFFF086;
	s6 =	sadd.s32 @!p0 s3, s7;
	s7 =	simm.s32 @!p0 $0x108  }
0x21: {  	s3 =	sadd.s32 s3, s9;
	s6 =	sadd.s32 @!p0 $0x88, s6;
	s7 =	simm.s32 @p2 $0x1082  }
0x22: {  	[simem:s7], [sflag:s8] =	dma.local @!p0 [hbm:s6], $0xF7A  }
0x23: {  	s9 =	sor.u32 $0xD0000000, s2;
	s6 =	simm.s32 $0x108;
	_ =	swait.ge @!p0 [sflag:s8], $0x0  }
0x24: {  	s3 =	sadd.s32 $0x88, s3;
	s6 =	simm.s32 @!p1 $0x1082;
	[sflag:s4] =	ssyncset.s32 $0xFFFFF086  }
0x25: {  	[simem:s6], [sflag:s4] =	dma.local [hbm:s3], $0xF7A  }
0x26: {  	[smem:$0x3F9B] =	sst s1;
	(tag) =	ssettag s2;
	_ =	strace s9  }
0x27: {  	s1 =	sld [smem:$0x3FAB]  }
0x28: {  	s2 =	sld [smem:$0x3FAC]  }
0x29: {  	s4 =	sld [smem:$0x3FAE]  }
0x2a: {  	p0 =	seq.s32 s5, $0x0;
	s5 =	sld [smem:$0x3FAF]  }
0x2b: {  	s6 =	sld [smem:$0x3FB0]  }
0x2c: {  	s7 =	sld [smem:$0x3FB1]  }
0x2d: {  	s3 =	simm.s32 $0x108;
	s8 =	sld [smem:$0x3FB2]  }
0x2e: {  	s3 =	simm.s32 @!p0 $0x1082;
	s9 =	sld [smem:$0x3FB3]  }
0x2f: {  	lr =	sadd.s32 s0, s3;
	s0 =	sld [smem:$0x3FAA]  }
0x30: {  	s3 =	sld [smem:$0x3FAD]  }
0x31: {  	[smem:$0x3FB6] =	sst s10  }
0x32: {  	s10 =	sld [smem:$0x3FB4];
	_ =	sdelay $0x3  }
0x33: {  	p0 =	seq.s32 s10, $0x1;
	s10 =	sld [smem:$0x3FB6];
	_ =	sdelay $0x3  }
0x34: {  	[smem:$0x3FB6] =	sst s10  }
0x35: {  	s10 =	sld [smem:$0x3FB5];
	_ =	sdelay $0x3  }
0x36: {  	p1 =	seq.s32 s10, $0x1;
	s10 =	sld [smem:$0x3FB6];
	_ =	sdelay $0x3  }
0x37: {  	[smem:$0x3FB6] =	sst s10  }
0x38: {  	s10 =	sld [smem:$0x3FB7]  }
0x39: {  	_ = 	snop;
	(pc) =	sbr.ind lr, $3  }
0x3a: {  	_ = 	snop  }
0x3b: {  	_ = 	snop  }
0x3c: {  	p2 =	seq.s32 s10, $0x1;
	s10 =	sld [smem:$0x3FB6]  }
0x3d: {  	_ =	shalt  }
0x3e: {  	_ =	shalt  }
0x3f: {  	_ =	shalt  }
0x40: {  	_ =	shalt  }
0x41: {  	_ =	shalt  }
0x42: {  	_ =	shalt  }
0x43: {  	_ =	shalt  }
0x44: {  	_ =	shalt  }
0x45: {  	_ =	shalt  }
0x46: {  	_ =	shalt  }
0x47: {  	_ =	shalt  }
0x48: {  	_ =	shalt  }
0x49: {  	_ =	shalt  }
0x4a: {  	_ =	shalt  }
0x4b: {  	_ =	shalt  }
0x4c: {  	_ =	shalt  }
0x4d: {  	_ =	shalt  }
0x4e: {  	_ =	shalt  }
0x4f: {  	_ =	shalt  }
0x50: {  	_ =	shalt  }
0x51: {  	_ =	shalt  }
0x52: {  	_ =	shalt  }
0x53: {  	_ =	shalt  }
0x54: {  	_ =	shalt  }
0x55: {  	_ =	shalt  }
0x56: {  	_ =	shalt  }
0x57: {  	_ =	shalt  }
0x58: {  	_ =	shalt  }
0x59: {  	_ =	shalt  }
0x5a: {  	_ =	shalt  }
0x5b: {  	_ =	shalt  }
0x5c: {  	_ =	shalt  }
0x5d: {  	_ =	shalt  }
0x5e: {  	_ =	shalt  }
0x5f: {  	_ =	shalt  }
0x60: {  	_ =	shalt  }
0x61: {  	_ =	shalt  }
0x62: {  	_ =	shalt  }
0x63: {  	_ =	shalt  }
0x64: {  	_ =	shalt  }
0x65: {  	_ =	shalt  }
0x66: {  	_ =	shalt  }
0x67: {  	_ =	shalt  }
0x68: {  	_ =	shalt  }
0x69: {  	_ =	shalt  }
0x6a: {  	_ =	shalt  }
0x6b: {  	_ =	shalt  }
0x6c: {  	_ =	shalt  }
0x6d: {  	_ =	shalt  }
0x6e: {  	_ =	shalt  }
0x6f: {  	_ =	shalt  }
0x70: {  	_ =	shalt  }
0x71: {  	_ =	shalt  }
0x72: {  	_ =	shalt  }
0x73: {  	_ =	shalt  }
0x74: {  	_ =	shalt  }
0x75: {  	_ =	shalt  }
0x76: {  	_ =	shalt  }
0x77: {  	_ =	shalt  }
0x78: {  	_ =	shalt  }
0x79: {  	_ =	shalt  }
0x7a: {  	_ =	shalt  }
0x7b: {  	_ =	shalt  }
0x7c: {  	_ =	shalt  }
0x7d: {  	_ =	shalt  }
0x7e: {  	_ =	shalt  }
0x7f: {  	_ =	shalt  }
0x80: {  	_ =	shalt  }
0x81: {  	_ =	shalt  }
0x82: {  	_ =	shalt  }
0x83: {  	_ =	shalt  }
0x84: {  	_ =	shalt  }
0x85: {  	_ =	shalt  }
0x86: {  	_ =	shalt  }
0x87: {  	_ =	shalt  }
.Lfunc_end0:
.L_simem_size_0:
called_computation_lowered:
.L_overlay_start_0:
0x88: {  	s2 =	sld [smem:$0x3FD9]  }
0x89: {  	s3 =	sld [smem:$0x3FFE];
	_ =	sdelay $0x1  }
0x8a: {  	s1 =	srdreg.scid  }
0x8b: {  	s0 =	sand.u32 $0x1, s1  }
0x8c: {  	s14 =	sshll.u32 s0, $0xA;
	s2 =	sadd.s32 s3, s2  }
0x8d: {  	s2 =	sadd.s32 s2, s14  }
0x8e: {  	[smem:$0x3FC2] =	sst s2  }
0x8f: {  	_ = 	snop  }
0x90: {  	s2 =	sld [smem:$0x3FD0];
	_ =	sdelay $0x2  }
0x91: {  	s4 =	simm.s32 $0xA;
	s5 =	simm.s32 $0x10;
	s15 =	sld [smem:$0x3FC9]  }
0x92: {  	[smem:s5], [sflag:s4] =	dma.local [hbm:s2], $0x1  }
0x93: {  	_ =	swait.eq [sflag:s4], $0x1  }
0x94: {  	[sflag:s4] =	ssyncset.done $0x0  }
0x95: {  	[sflag:s4] =	ssyncadd.s32 $0xFFFFFFFF  }
0x96: {  	s16 =	sld [smem:$0x10];
	(tm) =	ssettm $0x1  }
0x97: {  	s17 =	sld [smem:$0x3FFB];
	_ =	sdelay $0x3  }
0x98: {  	_ =	strace s17  }
0x99: {  	s4 =	sld [smem:$0x3FFC];
	_ =	sdelay $0x3  }
0x9a: {  	_ =	strace s4  }
0x9b: {  	s4 =	sld [smem:$0x3FFD];
	_ =	sdelay $0x3  }
0x9c: {  	_ =	strace s4  }
0x9d: {  	_ =	strace $0x8FFFFFFF  }
0x9e: {  	s18 =	sld [smem:$0x3FDB];
	_ =	sdelay $0x1  }
0x9f: {  	s19 =	simm.s32 $_scs_section_size  }
0xa0: {  	s6 =	simm.s32 $_size__tile_overlayer_lowered;
	s7 =	simm.s32 $_tile_overlayer_lowered  }
0xa1: {  	s22 =	simm.s32 $0x1BFF;
	s21 =	sshll.u32 s7, $0x1;
	s4 =	sadd.s32 s19, s18  }
0xa2: {  	s8 =	simm.s32 $0x0;
	s20 =	sshll.u32 s6, $0x1;
	s6 =	sadd.s32 s21, s4  }
0xa3: {  	[timem:s8], [sflag:s22] =	dma.local [hbm:s6], s20  }
0xa4: {  	_ =	swait.ge [sflag:s22], s20  }
0xa5: {  	s5 =	ssub.s32 $0x0, s20;
	[sflag:s22] =	ssyncset.done $0x0  }
0xa6: {  	[sflag:s22] =	ssyncadd.s32 s5;
	_ =	sdelay $0x1  }
0xa7: {  	s23 =	simm.s32 $0x1B8B  }
0xa8: {  	_ =	swait.ge [sflag:s23], $0x1  }
0xa9: {  	[sflag:s23] =	ssyncset.done $0x0  }
0xaa: {  	s25 =	simm.s32 $0x1B8E;
	s24 =	sld [smem:$0x3FFE];
	[sflag:s23] =	ssyncadd.s32 $0xFFFFFFFF  }
0xab: {  	s26 =	simm.s32 $execute0_lowered;
	[smem:$0x3FD2] =	sst s25  }
0xac: {  	s6 =	sshll.u32 s26, $0x1;
	_ =	strace $0x80000046;
	[dreg:$0x1] =	wrdreg $0xFFFFFFFF  }
0xad: {  	s28 =	simm.s32 $_size_execute0_lowered;
	s4 =	sadd.s32 s4, s6;
	[dreg:$0x0] =	wrdreg $0x0  }
0xae: {  	s6 =	sshll.u32 s28, $0x1;
	[dreg:$0x2] =	wrdreg s4  }
0xaf: {  	[dreg:$0x3] =	wrdreg s6  }
0xb0: {  	[dreg:$0x4] =	wrdreg $0xC0  }
0xb1: {  	_ =	task [dreg:s8], $0x5FFFF  }
0xb2: {  	[dreg:$0x1] =	wrdreg $0xFFFFFFFF  }
0xb3: {  	[dreg:$0x0] =	wrdreg $0x60  }
0xb4: {  	[dreg:$0x2] =	wrdreg s15  }
0xb5: {  	[dreg:$0x3] =	wrdreg s16  }
0xb6: {  	[dreg:$0x4] =	wrdreg s24  }
0xb7: {  	[dreg:$0x5] =	wrdreg $0x9  }
0xb8: {  	_ =	task.clear_ibuf [dreg:s8], $0x6FFFF;
	_ =	strace $0x90000046  }
0xb9: {  	s29 =	simm.s32 $0x9;
	_ =	strace $0x80000048  }
0xba: {  	_ =	swait.ge [sflag:s29], $0x1  }
0xbb: {  	[sflag:s29] =	ssyncadd.s32 $0xFFFFFFFF  }
0xbc: {  	_ =	strace $0x90000048  }
0xbd: {  	_ =	sfence  }
0xbe: {  	s30 =	sld [smem:$0x0];
	_ =	sdelay $0x2  }
0xbf: {  	s31 =	sshll.u32 s1, $0xD;
	s1 =	sshrl.u32 s1, $0x2  }
0xc0: {  	s3 =	sand.u32 $0x4000, s31;
	s1 =	sadd.s32 s1, s30  }
0xc1: {  	s0 =	sor.u32 s3, s0;
	s1 =	sshll.u32 s1, $0x11  }
0xc2: {  	s0 =	sor.u32 s1, s0  }
0xc3: {  	s0 =	sadd.s32 $0x8F2B, s0  }
0xc4: {  	[sflag:s0] =	ssyncadd.remote.s32 $0x1  }
0xc5: {  	_ =	sfence.sel $0xFFFF  }
0xc6: {  	[dreg:$0x0] =	wrdreg $0xFFFFFFFF;
	(pc) =	sbr.abs _section_cstart, $3  }
0xc7: {  	[dreg:$0x1] =	wrdreg $0xFFFFFFFF  }
0xc8: {  	_ =	task.clear_ibuf [dreg:s8], $0x2FFFF;
	_ =	strace $0x9FFFFFFF  }
0xc9: {  	(tm) =	ssettm $0x7FFFFFFF  }
tec
execute0_lowered:
.L_overlay_start_1:
0x0: {  	(tag) =	ssettag $0x1  }
0x1: {  	s1 =	srdreg.scid  }
0x2: {  	s3 =	rddreg [dreg:$0x0];
	s0 =	stileid.u32;
	s1 =	sand.u32 $0x1, s1  }
0x3: {  	s4 =	rddreg [dreg:$0x1];
	s2 =	sshll.u32 s0, $0x5;
	s5 =	sshll.u32 s1, $0x4  }
0x4: {  	s6 =	rddreg [dreg:$0x2];
	s5 =	sor.u32 s5, s2;
	s2 =	simm.s32 $0x0  }
0x5: {  	[smem:$0x7FF] =	sst s2;
	s4 =	sadd.s32 s4, s5  }
0x6: {  	s24 =	simm.s32 $0x880;
	_ =	strace $0x80000047;
	[dreg:$0x4] =	wrdreg s4  }
0x7: {  	s25 =	simm.s32 $0x1080;
	[dreg:$0x6] =	wrdreg s24  }
0x8: {  	s26 =	simm.s32 $0x1880;
	[dreg:$0x7] =	wrdreg s25  }
0x9: {  	s0 =	simm.s32 $0x2080;
	[dreg:$0x8] =	wrdreg s26  }
0xa: {  	s7 =	sand.u32 $0xF0, s5;
	s5 =	simm.s32 $0x3080;
	[dreg:$0x9] =	wrdreg s0  }
0xb: {  	s8 =	simm.s32 $0x4080;
	[dreg:$0xb] =	wrdreg s5  }
0xc: {  	s9 =	simm.s32 $0x4880;
	[dreg:$0xd] =	wrdreg s8  }
0xd: {  	s10 =	simm.s32 $0x5080;
	[dreg:$0xe] =	wrdreg s9  }
0xe: {  	s11 =	simm.s32 $0x5880;
	[dreg:$0xf] =	wrdreg s10  }
0xf: {  	s12 =	simm.s32 $0x6080;
	[dreg:$0x10] =	wrdreg s11  }
0x10: {  	s13 =	simm.s32 $0x6880;
	[dreg:$0x11] =	wrdreg s12  }
0x11: {  	s14 =	simm.s32 $0x7080;
	s15 =	simm.s32 $0x7880;
	[dreg:$0x12] =	wrdreg s13  }
0x12: {  	s16 =	simm.s32 $0x8080;
	s17 =	simm.s32 $0x8880;
	[dreg:$0x13] =	wrdreg s14  }
0x13: {  	s18 =	simm.s32 $0x9080;
	s20 =	simm.s32 $0x9880;
	[dreg:$0x14] =	wrdreg s15  }
0x14: {  	s21 =	simm.s32 $0xA080;
	s22 =	simm.s32 $0xA880;
	[dreg:$0x15] =	wrdreg s16  }
0x15: {  	s23 =	simm.s32 $0xB080;
	s28 =	simm.s32 $0x16080;
	[dreg:$0x16] =	wrdreg s17  }
0x16: {  	s29 =	simm.s32 $0x16880;
	s1 =	ssub.s32 $0x2, s1;
	[dreg:$0x17] =	wrdreg s18  }
0x17: {  	s30 =	simm.s32 $0x17080;
	s19 =	sshrl.u32 s1, $0x1;
	[dreg:$0x18] =	wrdreg s20  }
0x18: {  	s31 =	simm.s32 $0x17880;
	s1 =	ssub.s32 s1, s19;
	[dreg:$0x19] =	wrdreg s21  }
0x19: {  	s19 =	simm.s32 $0x12080;
	s7 =	smul.u32 $0x300, s7;
	[dreg:$0x1a] =	wrdreg s22  }
0x1a: {  	s4 =	simm.s32 $0x2880;
	s5 =	sadd.s32 $0x1C00, s6;
	[dreg:$0x1b] =	wrdreg s23  }
0x1b: {  	s24 =	simm.s32 $0xB880;
	s25 =	simm.s32 $0xC080;
	s8 =	simm.s32 $0x80  }
0x1c: {  	s26 =	simm.s32 $0xC880;
	s10 =	simm.s32 $0xD880;
	s11 =	simm.s32 $0xE080  }
0x1d: {  	s12 =	simm.s32 $0xE880;
	s13 =	simm.s32 $0xF080;
	s14 =	simm.s32 $0xF880  }
0x1e: {  	s15 =	simm.s32 $0x10080;
	s16 =	simm.s32 $0x10880;
	s17 =	simm.s32 $0x11080  }
0x1f: {  	s18 =	simm.s32 $0x11880;
	s20 =	simm.s32 $0x12880;
	[dreg:$0xa] =	wrdreg s4  }
0x20: {  	s21 =	simm.s32 $0x13080;
	s22 =	simm.s32 $0x13880;
	[dreg:$0x1c] =	wrdreg s24  }
0x21: {  	s23 =	simm.s32 $0x14080;
	s4 =	sadd.s32 $0x1B00, s6;
	[dreg:$0x1d] =	wrdreg s25  }
0x22: {  	[dreg:$0x1e] =	wrdreg s26;
	s24 =	simm.s32 $0x14880;
	s3 =	sadd.s32 s3, s7  }
0x23: {  	v2 =	vlaneseq.u32;
	s25 =	simm.s32 $0x15080;
	s7 =	simm.s32 $0x3880;
	[dreg:$0x5] =	wrdreg s3  }
0x24: {  	vm0 =	vmmov $0xffff;
	v1 =	vshrl.u32 v2, $0x3;
	s26 =	simm.s32 $0x15880;
	[dreg:$0xc] =	wrdreg s7;
	s3 =	sadd.s32 $0x1A00, s6  }
0x25: {  	v0 =	vand.u32 $0x7, v2;
	v2 =	vor.u32 $0x8, v2;
	v1 =	vmul.u32 $0x8, v1;
	s6 =	smax.u32 s1, $0x1;
	s7 =	simm.s32 $0x2;
	s1 =	simm.s32 $0x1  }
.LBB2_1:
0x26: {  	s0 =	rddreg [dreg:$0x4]  }
0x27: {  	[tilespmem:s2], [sflag:$0x2] =	stream.linear.gather [hbm4b:s0+s2], $0x80, $0x38;
	[tilespmem:$0x18080] =	vst v63  }
0x28: {  	_ =	swait.ge [sflag:s7], $0x80  }
0x29: {  	[sflag:s7] =	ssyncset.done $0x0  }
0x2a: {  	s9 =	rddreg [dreg:$0x5];
	[sflag:s7] =	ssyncadd.s32 $0xFFFFFF80  }
0x2b: {  	[tilespmem:s8], [sflag:$0x2] =	stream.linear.gather [hbm4b:s9+s2], $0x18000, $0x38;
	[tilespmem:$0x18080] =	vst v63  }
0x2c: {  	_ =	swait.ge [sflag:s7], $0x18000  }
0x2d: {  	[sflag:s7] =	ssyncset.done $0x0  }
0x2e: {  	[sflag:s7] =	ssyncadd.s32 $0xFFFE8000  }
0x2f: {  	v3 =	vld [tilespmem:$0x0];
	_ =	sdelay $0x4  }
0x30: {  	v4 =	vshrl.u32 v3, $0x3  }
0x31: {  	v4 =	vmul.u32 $0x30, v4  }
0x32: {  	v3 =	vand.u32 $0x7, v3  }
0x33: {  	v3 =	vor.u32 v3, v4  }
0x34: {  	v4 =	vperm.xlane v3, v0;
	_ =	sdelay $0x1  }
0x35: {  	v4 =	vadd.s32 v1, v4;
	_ =	sdelay $0x3  }
0x36: {  	v3 =	vperm.xlane v3, v2  }
0x37: {  	[hbm4b:s3+s2] =	stream.indirect_vreg.scatter [tilespmem:s8], [sflag:$0x1], $0x80, v4, vm0, $0xb8;
	[tilespmem:$0x18080] =	vst v63  }
0x38: {  	s0 =	rddreg [dreg:$0x6];
	v3 =	vadd.s32 v1, v3  }
0x39: {  	[hbm4b:s4+s2] =	stream.indirect_vreg.scatter [tilespmem:s0], [sflag:$0x1], $0x80, v4, vm0, $0xb8;
	[tilespmem:$0x18080] =	vst v63  }
0x3a: {  	s9 =	rddreg [dreg:$0x7]  }
0x3b: {  	[hbm4b:s5+s2] =	stream.indirect_vreg.scatter [tilespmem:s9], [sflag:$0x1], $0x80, v4, vm0, $0xb8;
	[tilespmem:$0x18080] =	vst v63  }
0x3c: {  	s0 =	rddreg [dreg:$0x8]  }
0x3d: {  	[hbm4b:s3+s2] =	stream.indirect_vreg.scatter [tilespmem:s0], [sflag:$0x1], $0x80, v3, vm0, $0xb8;
	[tilespmem:$0x18080] =	vst v63  }
0x3e: {  	s9 =	rddreg [dreg:$0x9]  }
0x3f: {  	[hbm4b:s4+s2] =	stream.indirect_vreg.scatter [tilespmem:s9], [sflag:$0x1], $0x80, v3, vm0, $0xb8;
	[tilespmem:$0x18080] =	vst v63  }
0x40: {  	s0 =	rddreg [dreg:$0xa]  }
0x41: {  	[hbm4b:s5+s2] =	stream.indirect_vreg.scatter [tilespmem:s0], [sflag:$0x1], $0x80, v3, vm0, $0xb8;
	[tilespmem:$0x18080] =	vst v63  }
0x42: {  	v3 =	vld [tilespmem:$0x10];
	_ =	sdelay $0x4  }
0x43: {  	v57 =	vshrl.u32 v3, $0x3  }
0x44: {  	v4 =	vmul.u32 $0x30, v57  }
0x45: {  	v3 =	vand.u32 $0x7, v3  }
0x46: {  	v3 =	vor.u32 v3, v4  }
0x47: {  	v4 =	vperm.xlane v3, v0;
	_ =	sdelay $0x1  }
0x48: {  	v4 =	vadd.s32 v1, v4;
	_ =	sdelay $0x3  }
0x49: {  	s0 =	rddreg [dreg:$0xb];
	v3 =	vperm.xlane v3, v2  }
0x4a: {  	[hbm4b:s3+s2] =	stream.indirect_vreg.scatter [tilespmem:s0], [sflag:$0x1], $0x80, v4, vm0, $0xb8;
	[tilespmem:$0x18080] =	vst v63  }
0x4b: {  	s9 =	rddreg [dreg:$0xc];
	v3 =	vadd.s32 v1, v3  }
0x4c: {  	[hbm4b:s4+s2] =	stream.indirect_vreg.scatter [tilespmem:s9], [sflag:$0x1], $0x80, v4, vm0, $0xb8;
	[tilespmem:$0x18080] =	vst v63  }
0x4d: {  	s0 =	rddreg [dreg:$0xd]  }
0x4e: {  	[hbm4b:s5+s2] =	stream.indirect_vreg.scatter [tilespmem:s0], [sflag:$0x1], $0x80, v4, vm0, $0xb8;
	[tilespmem:$0x18080] =	vst v63  }
0x4f: {  	s9 =	rddreg [dreg:$0xe]  }
0x50: {  	[hbm4b:s3+s2] =	stream.indirect_vreg.scatter [tilespmem:s9], [sflag:$0x1], $0x80, v3, vm0, $0xb8;
	[tilespmem:$0x18080] =	vst v63  }
0x51: {  	s0 =	rddreg [dreg:$0xf]  }
0x52: {  	[hbm4b:s4+s2] =	stream.indirect_vreg.scatter [tilespmem:s0], [sflag:$0x1], $0x80, v3, vm0, $0xb8;
	[tilespmem:$0x18080] =	vst v63  }
0x53: {  	s9 =	rddreg [dreg:$0x10]  }
0x54: {  	[hbm4b:s5+s2] =	stream.indirect_vreg.scatter [tilespmem:s9], [sflag:$0x1], $0x80, v3, vm0, $0xb8;
	[tilespmem:$0x18080] =	vst v63  }
0x55: {  	v3 =	vld [tilespmem:$0x20];
	_ =	sdelay $0x4  }
0x56: {  	v58 =	vshrl.u32 v3, $0x3  }
0x57: {  	v4 =	vmul.u32 $0x30, v58  }
0x58: {  	v3 =	vand.u32 $0x7, v3  }
0x59: {  	v3 =	vor.u32 v3, v4  }
0x5a: {  	v4 =	vperm.xlane v3, v0;
	_ =	sdelay $0x1  }
0x5b: {  	v4 =	vadd.s32 v1, v4;
	_ =	sdelay $0x3  }
0x5c: {  	s0 =	rddreg [dreg:$0x11];
	v3 =	vperm.xlane v3, v2  }
0x5d: {  	[hbm4b:s3+s2] =	stream.indirect_vreg.scatter [tilespmem:s0], [sflag:$0x1], $0x80, v4, vm0, $0xb8;
	[tilespmem:$0x18080] =	vst v63  }
0x5e: {  	s9 =	rddreg [dreg:$0x12];
	v3 =	vadd.s32 v1, v3  }
0x5f: {  	[hbm4b:s4+s2] =	stream.indirect_vreg.scatter [tilespmem:s9], [sflag:$0x1], $0x80, v4, vm0, $0xb8;
	[tilespmem:$0x18080] =	vst v63  }
0x60: {  	s0 =	rddreg [dreg:$0x13]  }
0x61: {  	[hbm4b:s5+s2] =	stream.indirect_vreg.scatter [tilespmem:s0], [sflag:$0x1], $0x80, v4, vm0, $0xb8;
	[tilespmem:$0x18080] =	vst v63  }
0x62: {  	s9 =	rddreg [dreg:$0x14]  }
0x63: {  	[hbm4b:s3+s2] =	stream.indirect_vreg.scatter [tilespmem:s9], [sflag:$0x1], $0x80, v3, vm0, $0xb8;
	[tilespmem:$0x18080] =	vst v63  }
0x64: {  	s0 =	rddreg [dreg:$0x15]  }
0x65: {  	[hbm4b:s4+s2] =	stream.indirect_vreg.scatter [tilespmem:s0], [sflag:$0x1], $0x80, v3, vm0, $0xb8;
	[tilespmem:$0x18080] =	vst v63  }
0x66: {  	s9 =	rddreg [dreg:$0x16]  }
0x67: {  	[hbm4b:s5+s2] =	stream.indirect_vreg.scatter [tilespmem:s9], [sflag:$0x1], $0x80, v3, vm0, $0xb8;
	[tilespmem:$0x18080] =	vst v63  }
0x68: {  	v3 =	vld [tilespmem:$0x30];
	_ =	sdelay $0x4  }
0x69: {  	v59 =	vshrl.u32 v3, $0x3  }
0x6a: {  	v4 =	vmul.u32 $0x30, v59  }
0x6b: {  	v3 =	vand.u32 $0x7, v3  }
0x6c: {  	v3 =	vor.u32 v3, v4  }
0x6d: {  	v4 =	vperm.xlane v3, v0;
	_ =	sdelay $0x1  }
0x6e: {  	v4 =	vadd.s32 v1, v4;
	_ =	sdelay $0x3  }
0x6f: {  	s0 =	rddreg [dreg:$0x17];
	v3 =	vperm.xlane v3, v2  }
0x70: {  	[hbm4b:s3+s2] =	stream.indirect_vreg.scatter [tilespmem:s0], [sflag:$0x1], $0x80, v4, vm0, $0xb8;
	[tilespmem:$0x18080] =	vst v63  }
0x71: {  	s9 =	rddreg [dreg:$0x18];
	v3 =	vadd.s32 v1, v3  }
0x72: {  	[hbm4b:s4+s2] =	stream.indirect_vreg.scatter [tilespmem:s9], [sflag:$0x1], $0x80, v4, vm0, $0xb8;
	[tilespmem:$0x18080] =	vst v63  }
0x73: {  	s0 =	rddreg [dreg:$0x19]  }
0x74: {  	[hbm4b:s5+s2] =	stream.indirect_vreg.scatter [tilespmem:s0], [sflag:$0x1], $0x80, v4, vm0, $0xb8;
	[tilespmem:$0x18080] =	vst v63  }
0x75: {  	s9 =	rddreg [dreg:$0x1a]  }
0x76: {  	[hbm4b:s3+s2] =	stream.indirect_vreg.scatter [tilespmem:s9], [sflag:$0x1], $0x80, v3, vm0, $0xb8;
	[tilespmem:$0x18080] =	vst v63  }
0x77: {  	s0 =	rddreg [dreg:$0x1b]  }
0x78: {  	[hbm4b:s4+s2] =	stream.indirect_vreg.scatter [tilespmem:s0], [sflag:$0x1], $0x80, v3, vm0, $0xb8;
	[tilespmem:$0x18080] =	vst v63  }
0x79: {  	s9 =	rddreg [dreg:$0x1c]  }
0x7a: {  	[hbm4b:s5+s2] =	stream.indirect_vreg.scatter [tilespmem:s9], [sflag:$0x1], $0x80, v3, vm0, $0xb8;
	[tilespmem:$0x18080] =	vst v63  }
0x7b: {  	v3 =	vld [tilespmem:$0x40];
	_ =	sdelay $0x4  }
0x7c: {  	v60 =	vshrl.u32 v3, $0x3  }
0x7d: {  	v4 =	vmul.u32 $0x30, v60  }
0x7e: {  	v3 =	vand.u32 $0x7, v3  }
0x7f: {  	v3 =	vor.u32 v3, v4  }
0x80: {  	v4 =	vperm.xlane v3, v0;
	_ =	sdelay $0x1  }
0x81: {  	v4 =	vadd.s32 v1, v4;
	_ =	sdelay $0x3  }
0x82: {  	s0 =	rddreg [dreg:$0x1d];
	v3 =	vperm.xlane v3, v2  }
0x83: {  	[hbm4b:s3+s2] =	stream.indirect_vreg.scatter [tilespmem:s0], [sflag:$0x1], $0x80, v4, vm0, $0xb8;
	[tilespmem:$0x18080] =	vst v63  }
0x84: {  	s9 =	rddreg [dreg:$0x1e];
	v3 =	vadd.s32 v1, v3  }
0x85: {  	[hbm4b:s4+s2] =	stream.indirect_vreg.scatter [tilespmem:s9], [sflag:$0x1], $0x80, v4, vm0, $0xb8;
	[tilespmem:$0x18080] =	vst v63  }
0x86: {  	s9 =	simm.s32 $0xD080  }
0x87: {  	[hbm4b:s5+s2] =	stream.indirect_vreg.scatter [tilespmem:s9], [sflag:$0x1], $0x80, v4, vm0, $0xb8;
	[tilespmem:$0x18080] =	vst v63  }
0x88: {  	_ = 	snop  }
0x89: {  	[hbm4b:s3+s2] =	stream.indirect_vreg.scatter [tilespmem:s10], [sflag:$0x1], $0x80, v3, vm0, $0xb8;
	[tilespmem:$0x18080] =	vst v63  }
0x8a: {  	_ = 	snop  }
0x8b: {  	[hbm4b:s4+s2] =	stream.indirect_vreg.scatter [tilespmem:s11], [sflag:$0x1], $0x80, v3, vm0, $0xb8;
	[tilespmem:$0x18080] =	vst v63  }
0x8c: {  	_ = 	snop  }
0x8d: {  	[hbm4b:s5+s2] =	stream.indirect_vreg.scatter [tilespmem:s12], [sflag:$0x1], $0x80, v3, vm0, $0xb8;
	[tilespmem:$0x18080] =	vst v63  }
0x8e: {  	v3 =	vld [tilespmem:$0x50];
	_ =	sdelay $0x4  }
0x8f: {  	v61 =	vshrl.u32 v3, $0x3  }
0x90: {  	v4 =	vmul.u32 $0x30, v61  }
0x91: {  	v3 =	vand.u32 $0x7, v3  }
0x92: {  	v3 =	vor.u32 v3, v4  }
0x93: {  	v4 =	vperm.xlane v3, v0;
	_ =	sdelay $0x1  }
0x94: {  	v4 =	vadd.s32 v1, v4;
	_ =	sdelay $0x3  }
0x95: {  	v3 =	vperm.xlane v3, v2  }
0x96: {  	[hbm4b:s3+s2] =	stream.indirect_vreg.scatter [tilespmem:s13], [sflag:$0x1], $0x80, v4, vm0, $0xb8;
	[tilespmem:$0x18080] =	vst v63  }
0x97: {  	v3 =	vadd.s32 v1, v3  }
0x98: {  	[hbm4b:s4+s2] =	stream.indirect_vreg.scatter [tilespmem:s14], [sflag:$0x1], $0x80, v4, vm0, $0xb8;
	[tilespmem:$0x18080] =	vst v63  }
0x99: {  	_ = 	snop  }
0x9a: {  	[hbm4b:s5+s2] =	stream.indirect_vreg.scatter [tilespmem:s15], [sflag:$0x1], $0x80, v4, vm0, $0xb8;
	[tilespmem:$0x18080] =	vst v63  }
0x9b: {  	_ = 	snop  }
0x9c: {  	[hbm4b:s3+s2] =	stream.indirect_vreg.scatter [tilespmem:s16], [sflag:$0x1], $0x80, v3, vm0, $0xb8;
	[tilespmem:$0x18080] =	vst v63  }
0x9d: {  	_ = 	snop  }
0x9e: {  	[hbm4b:s4+s2] =	stream.indirect_vreg.scatter [tilespmem:s17], [sflag:$0x1], $0x80, v3, vm0, $0xb8;
	[tilespmem:$0x18080] =	vst v63  }
0x9f: {  	_ = 	snop  }
0xa0: {  	[hbm4b:s5+s2] =	stream.indirect_vreg.scatter [tilespmem:s18], [sflag:$0x1], $0x80, v3, vm0, $0xb8;
	[tilespmem:$0x18080] =	vst v63  }
0xa1: {  	v3 =	vld [tilespmem:$0x60];
	_ =	sdelay $0x4  }
0xa2: {  	v62 =	vshrl.u32 v3, $0x3  }
0xa3: {  	v4 =	vmul.u32 $0x30, v62  }
0xa4: {  	v3 =	vand.u32 $0x7, v3  }
0xa5: {  	v3 =	vor.u32 v3, v4  }
0xa6: {  	v4 =	vperm.xlane v3, v0;
	_ =	sdelay $0x1  }
0xa7: {  	v4 =	vadd.s32 v1, v4;
	_ =	sdelay $0x3  }
0xa8: {  	v3 =	vperm.xlane v3, v2  }
0xa9: {  	[hbm4b:s3+s2] =	stream.indirect_vreg.scatter [tilespmem:s19], [sflag:$0x1], $0x80, v4, vm0, $0xb8;
	[tilespmem:$0x18080] =	vst v63  }
0xaa: {  	v3 =	vadd.s32 v1, v3  }
0xab: {  	[hbm4b:s4+s2] =	stream.indirect_vreg.scatter [tilespmem:s20], [sflag:$0x1], $0x80, v4, vm0, $0xb8;
	[tilespmem:$0x18080] =	vst v63  }
0xac: {  	_ = 	snop  }
0xad: {  	[hbm4b:s5+s2] =	stream.indirect_vreg.scatter [tilespmem:s21], [sflag:$0x1], $0x80, v4, vm0, $0xb8;
	[tilespmem:$0x18080] =	vst v63  }
0xae: {  	_ = 	snop  }
0xaf: {  	[hbm4b:s3+s2] =	stream.indirect_vreg.scatter [tilespmem:s22], [sflag:$0x1], $0x80, v3, vm0, $0xb8;
	[tilespmem:$0x18080] =	vst v63  }
0xb0: {  	_ = 	snop  }
0xb1: {  	[hbm4b:s4+s2] =	stream.indirect_vreg.scatter [tilespmem:s23], [sflag:$0x1], $0x80, v3, vm0, $0xb8;
	[tilespmem:$0x18080] =	vst v63  }
0xb2: {  	_ = 	snop  }
0xb3: {  	[hbm4b:s5+s2] =	stream.indirect_vreg.scatter [tilespmem:s24], [sflag:$0x1], $0x80, v3, vm0, $0xb8;
	[tilespmem:$0x18080] =	vst v63  }
0xb4: {  	v3 =	vld [tilespmem:$0x70];
	_ =	sdelay $0x4  }
0xb5: {  	v63 =	vshrl.u32 v3, $0x3  }
0xb6: {  	v4 =	vmul.u32 $0x30, v63  }
0xb7: {  	v3 =	vand.u32 $0x7, v3  }
0xb8: {  	v3 =	vor.u32 v3, v4  }
0xb9: {  	v4 =	vperm.xlane v3, v0;
	_ =	sdelay $0x1  }
0xba: {  	v4 =	vadd.s32 v1, v4;
	_ =	sdelay $0x3  }
0xbb: {  	v3 =	vperm.xlane v3, v2  }
0xbc: {  	[hbm4b:s3+s2] =	stream.indirect_vreg.scatter [tilespmem:s25], [sflag:$0x1], $0x80, v4, vm0, $0xb8;
	[tilespmem:$0x18080] =	vst v63  }
0xbd: {  	v3 =	vadd.s32 v1, v3  }
0xbe: {  	[hbm4b:s4+s2] =	stream.indirect_vreg.scatter [tilespmem:s26], [sflag:$0x1], $0x80, v4, vm0, $0xb8;
	[tilespmem:$0x18080] =	vst v63  }
0xbf: {  	_ = 	snop  }
0xc0: {  	[hbm4b:s5+s2] =	stream.indirect_vreg.scatter [tilespmem:s28], [sflag:$0x1], $0x80, v4, vm0, $0xb8;
	[tilespmem:$0x18080] =	vst v63  }
0xc1: {  	_ = 	snop  }
0xc2: {  	[hbm4b:s3+s2] =	stream.indirect_vreg.scatter [tilespmem:s29], [sflag:$0x1], $0x80, v3, vm0, $0xb8;
	[tilespmem:$0x18080] =	vst v63  }
0xc3: {  	p0 =	sne.s32 s6, $0x1  }
0xc4: {  	[hbm4b:s4+s2] =	stream.indirect_vreg.scatter [tilespmem:s30], [sflag:$0x1], $0x80, v3, vm0, $0xb8;
	[tilespmem:$0x18080] =	vst v63  }
.Ltmp0:
0xc5: {  	_ = 	snop;
	(pc) =	sbr.rel @p0 .LBB2_1-.Ltmp0, $4  }
0xc6: {  	[hbm4b:s5+s2] =	stream.indirect_vreg.scatter [tilespmem:s31], [sflag:$0x1], $0x80, v3, vm0, $0xb8;
	[tilespmem:$0x18080] =	vst v63  }
0xc7: {  	_ =	swait.ge [sflag:s1], $0x18000  }
0xc8: {  	[sflag:s1] =	ssyncset.done $0x0  }
0xc9: {  	s6 =	sadd.s32 $0xFFFFFFFF, s6;
	[sflag:s1] =	ssyncadd.s32 $0xFFFE8000  }
0xca: {  	_ =	sfence.sel $0x180000  }
0xcb: {  	[bflag:$0x0] =	sbarrier.arrive $0xFFFF  }
0xcc: {  	_ =	strace $0x90000047  }
0xcd: {  	s0 =	stileid.u32;
	[bflag:$0x2] =	sbarrier.arrive $0xFFFF  }
0xce: {  	p0 =	sne.s32 s0, $0x0;
	s0 =	rddreg [dreg:$0x3]  }
0xcf: {  	s0 =	sadd.s32 @!p0 $0x100000, s0  }
0xd0: {  	[sflag:s0] =	ssyncadd.tile.s32 @!p0 $0x1;
	_ =	shalt  }
.Lfunc_end2:
_tile_overlayer_lowered:
.L_overlay_start_2:
0xd1: {  	(tag) =	ssettag $0x2  }
0xd2: {  	s0 =	rddreg [dreg:$0x0];
	s2 =	stileid.u32  }
0xd3: {  	s1 =	rddreg [dreg:$0x1];
	p0 =	sne.s32 s2, $0x0  }
0xd4: {  	s3 =	rddreg [dreg:$0x2];
	[bflag:$0x3] =	sbarrier.arrive $0xFFFF;
	s2 =	simm.s32 @!p0 $0x1C02  }
0xd5: {  	[timem:s3], [sflag:s2] =	dma.local @!p0 [hbm:s0], s1  }
0xd6: {  	s0 =	simm.s32 @!p0 $0x2  }
0xd7: {  	_ =	swait.ge @!p0 [sflag:s0], s1  }
0xd8: {  	s1 =	ssub.s32 @!p0 $0x0, s1;
	[sflag:s0] =	ssyncset.done @!p0 $0x0  }
0xd9: {  	[sflag:s0] =	ssyncadd.s32 @!p0 s1  }
0xda: {  	[bflag:$0x3] =	sbarrier.arrive $0xFFFF  }
0xdb: {  	_ =	shalt  }

</sc_bundles>
